<compile_context>
chip_gen: v7x
topology: tpu7x:2x2x1
jax: 0.10.2.dev20260603
libtpu: 0.0.44.dev20260713+nightly
codegen_flags: <defaults>
</compile_context>

<pallas_src>
import functools

import jax
import jax.numpy as jnp
from jax import lax
from jax.experimental import pallas as pl
from jax.experimental.pallas import tpu as pltpu
from jax.experimental.pallas import tpu_sc as plsc

N = 10000
E = 160000
F_IN = 256
H = 512
C = 128

CH = 128
B = 128
NS = 16
NC = 2
DUMP_LEN = 632
N_EDGE_CHUNKS = E // B
FEAT_CPT = N_EDGE_CHUNKS // NS
FEAT_REM = N_EDGE_CHUNKS % NS
CNT_NCH = N_EDGE_CHUNKS // NC
CNT_CPT = CNT_NCH // NS
CNT_REM = CNT_NCH % NS


def _make_sc_segsum(n_chunks):
    passes = n_chunks // NC
    mesh = plsc.VectorSubcoreMesh(core_axis_name="c", subcore_axis_name="s",
                                  num_cores=NC, num_subcores=NS)

    @functools.partial(
        pl.kernel,
        mesh=mesh,
        out_type=[
            jax.ShapeDtypeStruct((n_chunks * N, CH), jnp.float32),
            jax.ShapeDtypeStruct((NC * N, CH), jnp.float32),
        ],
        scratch_types=[
            pltpu.VMEM((B,), jnp.int32),
            pltpu.VMEM((B,), jnp.int32),
            pltpu.VMEM((B, CH), jnp.float32),
            pltpu.VMEM((B, CH), jnp.float32),
            pltpu.VMEM_SHARED((N, CH), jnp.float32),
            pltpu.SemaphoreType.DMA,
        ],
    )
    def seg_kernel(src_off, dst, table, z128, o128,
                   sums, cnt,
                   src_a, dst_a, rows_a, ones_v, acc_sh, sem_a):
        core = lax.axis_index("c")
        sid = lax.axis_index("s")
        r0 = pl.multiple_of(sid * (N // NS) - lax.rem(sid, 8), 8)

        def zero_acc():
            pltpu.sync_copy(z128.at[pl.ds(r0, DUMP_LEN)],
                            acc_sh.at[pl.ds(r0, DUMP_LEN)])

        pltpu.sync_copy(o128, ones_v)
        zero_acc()
        plsc.subcore_barrier()

        cstart = (core * CNT_NCH + sid * CNT_CPT
                  + jnp.minimum(sid, CNT_REM))
        cnt_iters = CNT_CPT + jnp.where(sid < CNT_REM, 1, 0)

        def cnt_body(k, carry):
            pltpu.sync_copy(dst.at[pl.ds((cstart + k) * B, B)], dst_a)
            pltpu.sync_copy(ones_v, acc_sh.at[dst_a], add=True)
            return carry

        lax.fori_loop(0, cnt_iters, cnt_body, 0)
        plsc.subcore_barrier()
        pltpu.sync_copy(acc_sh.at[pl.ds(r0, DUMP_LEN)],
                        cnt.at[pl.ds(core * N + r0, DUMP_LEN)])
        plsc.subcore_barrier()
        zero_acc()
        plsc.subcore_barrier()

        fstart = sid * FEAT_CPT + jnp.minimum(sid, FEAT_REM)
        f_iters = FEAT_CPT + jnp.where(sid < FEAT_REM, 1, 0)

        for p in range(passes):
            chunk = core * passes + p

            def body(k, carry):
                c = fstart + k
                pltpu.sync_copy(src_off.at[pl.ds(chunk * E + c * B, B)],
                                src_a)
                pltpu.sync_copy(dst.at[pl.ds(c * B, B)], dst_a)
                pltpu.async_copy(table.at[src_a], rows_a, sem_a).wait()
                pltpu.sync_copy(rows_a, acc_sh.at[dst_a], add=True)
                return carry

            lax.fori_loop(0, f_iters, body, 0)
            plsc.subcore_barrier()

            pltpu.sync_copy(acc_sh.at[pl.ds(r0, DUMP_LEN)],
                            sums.at[pl.ds(chunk * N + r0, DUMP_LEN)])
            if p + 1 < passes:
                plsc.subcore_barrier()
                zero_acc()
                plsc.subcore_barrier()

    return seg_kernel


_sc_segsum2 = _make_sc_segsum(2)
_sc_segsum4 = _make_sc_segsum(4)



_MB = 400


def _hdelta_body(f_ref, h_ref, out_ref):
    d = f_ref[...] - h_ref[...]
    out_ref[0] = d[:, :CH]
    out_ref[1] = d[:, CH:]


def _tc_hdelta0(features, hist0):
    grid = (N // 1000,)
    return pl.pallas_call(
        _hdelta_body,
        grid=grid,
        in_specs=[
            pl.BlockSpec((1000, F_IN), lambda i: (i, 0)),
            pl.BlockSpec((1000, F_IN), lambda i: (i, 0)),
        ],
        out_specs=pl.BlockSpec((2, 1000, CH), lambda i: (0, i, 0)),
        out_shape=jax.ShapeDtypeStruct((2, N, CH), jnp.float32),
    )(features, hist0)


def _layer0_body(f_ref, s_ref, c_ref, a_ref, w_ref, b_ref, h1_ref,
                 h_ref, hd_ref):
    cnt = jnp.maximum(c_ref[0][:, 0:1] + c_ref[1][:, 0:1], 1.0)
    hn = a_ref[...] + jnp.concatenate([s_ref[0], s_ref[1]], axis=1) / cnt
    w = w_ref[...]
    acc = lax.dot_general(f_ref[...], w[:, :F_IN],
                          (((1,), (1,)), ((), ())),
                          preferred_element_type=jnp.float32)
    acc = acc + lax.dot_general(hn, w[:, F_IN:],
                                (((1,), (1,)), ((), ())),
                                preferred_element_type=jnp.float32)
    h = jnp.maximum(acc + b_ref[...], 0.0)
    h_ref[...] = h
    for c in range(H // CH):
        hd_ref[c] = h[:, CH * c:CH * (c + 1)] - h1_ref[:, CH * c:CH * (c + 1)]


def _tc_layer0(features, sums0, cnt0, agg_hist0, W0, b0, hist1):
    grid = (N // _MB,)
    return pl.pallas_call(
        _layer0_body,
        grid=grid,
        in_specs=[
            pl.BlockSpec((_MB, F_IN), lambda i: (i, 0)),
            pl.BlockSpec((2, _MB, CH), lambda i: (0, i, 0)),
            pl.BlockSpec((2, _MB, CH), lambda i: (0, i, 0)),
            pl.BlockSpec((_MB, F_IN), lambda i: (i, 0)),
            pl.BlockSpec((H, 2 * F_IN), lambda i: (0, 0)),
            pl.BlockSpec((1, H), lambda i: (0, 0)),
            pl.BlockSpec((_MB, H), lambda i: (i, 0)),
        ],
        out_specs=[
            pl.BlockSpec((_MB, H), lambda i: (i, 0)),
            pl.BlockSpec((4, _MB, CH), lambda i: (0, i, 0)),
        ],
        out_shape=[
            jax.ShapeDtypeStruct((N, H), jnp.float32),
            jax.ShapeDtypeStruct((4, N, CH), jnp.float32),
        ],
    )(features, sums0, cnt0, agg_hist0, W0, b0, hist1)


def _layer1_body(h_ref, s_ref, c_ref, a_ref, w_ref, b_ref, o_ref):
    cnt = jnp.maximum(c_ref[0][:, 0:1] + c_ref[1][:, 0:1], 1.0)
    hn = a_ref[...] + jnp.concatenate(
        [s_ref[c] for c in range(H // CH)], axis=1) / cnt
    w = w_ref[...]
    acc = lax.dot_general(h_ref[...], w[:, :H],
                          (((1,), (1,)), ((), ())),
                          preferred_element_type=jnp.float32)
    acc = acc + lax.dot_general(hn, w[:, H:],
                                (((1,), (1,)), ((), ())),
                                preferred_element_type=jnp.float32)
    o_ref[...] = acc + b_ref[...]


def _tc_layer1(h, sums1, cnt1, agg_hist1, W1, b1):
    grid = (N // _MB,)
    return pl.pallas_call(
        _layer1_body,
        grid=grid,
        in_specs=[
            pl.BlockSpec((_MB, H), lambda i: (i, 0)),
            pl.BlockSpec((4, _MB, CH), lambda i: (0, i, 0)),
            pl.BlockSpec((2, _MB, CH), lambda i: (0, i, 0)),
            pl.BlockSpec((_MB, H), lambda i: (i, 0)),
            pl.BlockSpec((C, 2 * H), lambda i: (0, 0)),
            pl.BlockSpec((1, C), lambda i: (0, 0)),
        ],
        out_specs=pl.BlockSpec((_MB, C), lambda i: (i, 0)),
        out_shape=jax.ShapeDtypeStruct((N, C), jnp.float32),
    )(h, sums1, cnt1, agg_hist1, W1, b1)


def kernel(features, edge_index0, hist0, agg_hist0, edge_index1, hist1,
           agg_hist1, W0, b0, W1, b1):
    src0 = edge_index0[0].astype(jnp.int32)
    dst0 = edge_index0[1].astype(jnp.int32)
    src1 = edge_index1[0].astype(jnp.int32)
    dst1 = edge_index1[1].astype(jnp.int32)

    z128 = jnp.zeros((N, CH), jnp.float32)
    o128 = jnp.ones((B, CH), jnp.float32)

    def _pad_idx(src, dst, n_chunks):
        off = jnp.arange(n_chunks, dtype=jnp.int32) * N
        src_off = (src[None, :] + off[:, None]).reshape(-1)
        return src_off, dst

    hd0 = _tc_hdelta0(features, hist0).reshape(2 * N, CH)
    src_off0, dst0p = _pad_idx(src0, dst0, 2)
    sums0, cnt0 = _sc_segsum2(src_off0, dst0p, hd0, z128, o128)

    h, hd1 = _tc_layer0(features, sums0.reshape(2, N, CH),
                        cnt0.reshape(2, N, CH), agg_hist0,
                        W0, b0.reshape(1, H), hist1)

    src_off1, dst1p = _pad_idx(src1, dst1, 4)
    sums1, cnt1 = _sc_segsum4(src_off1, dst1p, hd1.reshape(4 * N, CH),
                              z128, o128)

    return _tc_layer1(h, sums1.reshape(4, N, CH),
                      cnt1.reshape(2, N, CH), agg_hist1,
                      W1, b1.reshape(1, C))

# --- scband reference (transcript-rebuilt; emitter-appended) ---
"""Pipeline reference for scband-sage-53695681134643 (READ-ONLY COPY).

The authoritative reference and input builder live on the scoring server;
editing this copy changes nothing except your own understanding.
"""

import jax, jax.numpy as jnp
import numpy as np

N = 10000
E = 160000
F_IN = 256
H = 512
C = 128


def _segment_mean(vals, seg, num):
    sums = jax.ops.segment_sum(vals, seg, num_segments=num)
    cnt = jax.ops.segment_sum(jnp.ones((seg.shape[0],), vals.dtype), seg, num_segments=num)
    return sums / jnp.maximum(cnt, 1.0)[:, None]


def setup_inputs(seed: int = 0) -> dict:
    key = jax.random.key(seed)
    ks = jax.random.split(key, 12)
    features = jax.random.normal(ks[0], (N, F_IN), dtype=jnp.float32)
    edge_index0 = jax.random.randint(ks[1], (2, E), 0, N, dtype=jnp.int64)
    hist0 = jax.random.normal(ks[2], (N, F_IN), dtype=jnp.float32)
    agg_hist0 = jax.random.normal(ks[3], (N, F_IN), dtype=jnp.float32)
    edge_index1 = jax.random.randint(ks[4], (2, E), 0, N, dtype=jnp.int64)
    hist1 = jax.random.normal(ks[5], (N, H), dtype=jnp.float32)
    agg_hist1 = jax.random.normal(ks[6], (N, H), dtype=jnp.float32)
    # Learned params: layer0 Linear(2*F_IN -> H), layer1 Linear(2*H -> C)
    gain = np.sqrt(2.0)
    s0 = gain * np.sqrt(6.0 / (2 * F_IN + H))
    s1 = gain * np.sqrt(6.0 / (2 * H + C))
    W0 = jax.random.uniform(ks[7], (H, 2 * F_IN), dtype=jnp.float32, minval=-s0, maxval=s0)
    b0 = jnp.zeros((H,), dtype=jnp.float32)
    W1 = jax.random.uniform(ks[8], (C, 2 * H), dtype=jnp.float32, minval=-s1, maxval=s1)
    b1 = jnp.zeros((C,), dtype=jnp.float32)
    return {"features": features, "edge_index0": edge_index0, "hist0": hist0,
            "agg_hist0": agg_hist0, "edge_index1": edge_index1, "hist1": hist1,
            "agg_hist1": agg_hist1, "W0": W0, "b0": b0, "W1": W1, "b1": b1}


def reference(features, edge_index0, hist0, agg_hist0, edge_index1, hist1, agg_hist1, W0, b0, W1, b1):
    # Layer 0 (training path with control variates):
    # h_neigh = agg_hist_dst + mean_{edges}(H_src - HBar_src); h = relu(W @ [H_dst, h_neigh])
    src0, dst0 = edge_index0[0], edge_index0[1]
    hdelta0 = features - hist0
    hdelta_new0 = _segment_mean(jnp.take(hdelta0, src0, axis=0), dst0, N)
    h_neigh0 = agg_hist0 + hdelta_new0
    h = jnp.concatenate([features, h_neigh0], axis=1) @ W0.T + b0
    h = jax.nn.relu(h)
    # Layer 1 (final layer, no activation)
    src1, dst1 = edge_index1[0], edge_index1[1]
    hdelta1 = h - hist1
    hdelta_new1 = _segment_mean(jnp.take(hdelta1, src1, axis=0), dst1, N)
    h_neigh1 = agg_hist1 + hdelta_new1
    out = jnp.concatenate([h, h_neigh1], axis=1) @ W1.T + b1
    return out

if __name__ == "__main__":
    import jax
    _d = setup_inputs()
    print(jax.jit(kernel)(*tuple(_d.values())))

</pallas_src>

<mosaic_0001>
#map = affine_map<(d0, d1) -> (0)>
#map1 = affine_map<(d0, d1) -> (0, 0)>
module attributes {stable_mosaic.version = 14 : i64} {
  func.func @seg_kernel(%arg0: i32, %arg1: i32, %arg2: memref<320000xi32, #tpu.memory_space<hbm>>, %arg3: memref<160000xi32, #tpu.memory_space<hbm>>, %arg4: memref<20000x128xf32, #tpu.memory_space<hbm>>, %arg5: memref<10000x128xf32, #tpu.memory_space<hbm>>, %arg6: memref<128x128xf32, #tpu.memory_space<hbm>>, %arg7: memref<20000x128xf32, #tpu.memory_space<hbm>>, %arg8: memref<20000x128xf32, #tpu.memory_space<hbm>>, %arg9: memref<128xi32, #tpu.memory_space<vmem>>, %arg10: memref<128xi32, #tpu.memory_space<vmem>>, %arg11: memref<128x128xf32, #tpu.memory_space<vmem>>, %arg12: memref<128x128xf32, #tpu.memory_space<vmem>>, %arg13: memref<10000x128xf32, #tpu.memory_space<vmem_shared>>, %arg14: memref<!tpu.dma_semaphore, #tpu.memory_space<semaphore_mem>>) attributes {dimension_semantics = [#tpu.dimension_semantics<core_parallel>, #tpu.dimension_semantics<subcore_parallel>], iteration_bounds = array<i64: 2, 16>, scalar_prefetch = 0 : i64, scratch_operands = 6 : i64, tpu.core_type = #tpu.core_type<sc_vector_subcore>, window_params = [{transform_indices = #map}, {transform_indices = #map}, {transform_indices = #map1}, {transform_indices = #map1}, {transform_indices = #map1}, {transform_indices = #map1}, {transform_indices = #map1}]} {
    %mul3A = arith.constant 625 : i32
    %mul3A_0 = arith.muli %arg1, %mul3A : i32
    %rem3A = arith.constant 8 : i32
    %rem3A_1 = arith.remsi %arg1, %rem3A : i32
    %sub3A = arith.subi %mul3A_0, %rem3A_1 : i32
    %multiple_of3A = tpu.assume_multiple %sub3A, 8 : i32
    "tpu.region"() ({
      %run_scoped3A = tpu.sem_alloc : memref<!tpu.dma_semaphore, #tpu.memory_space<semaphore_mem>>
      tpu.enqueue_dma source(%arg6 : memref<128x128xf32, #tpu.memory_space<hbm>>) target(%arg12 : memref<128x128xf32, #tpu.memory_space<vmem>>) target_semaphore(%run_scoped3A : memref<!tpu.dma_semaphore, #tpu.memory_space<semaphore_mem>>)
      tpu.wait_dma2 semaphore(%run_scoped3A : memref<!tpu.dma_semaphore, #tpu.memory_space<semaphore_mem>>) src(%arg6 : memref<128x128xf32, #tpu.memory_space<hbm>>) dst(%arg12 : memref<128x128xf32, #tpu.memory_space<vmem>>)
      tpu.yield
    }) : () -> ()
    "tpu.region"() ({
      %run_scoped3A = tpu.sem_alloc : memref<!tpu.dma_semaphore, #tpu.memory_space<semaphore_mem>>
      %dma_start3A = arith.constant 0 : i32
      %dma_start3A_57 = tpu.memref_slice %arg13[%multiple_of3A, %dma_start3A] : memref<10000x128xf32, #tpu.memory_space<vmem_shared>> -> memref<632x128xf32, #tpu.memory_space<vmem_shared>>
      %dma_start3A_58 = arith.constant 0 : i32
      %dma_start3A_59 = tpu.memref_slice %arg5[%multiple_of3A, %dma_start3A_58] : memref<10000x128xf32, #tpu.memory_space<hbm>> -> memref<632x128xf32, #tpu.memory_space<hbm>>
      tpu.enqueue_dma source(%dma_start3A_59 : memref<632x128xf32, #tpu.memory_space<hbm>>) target(%dma_start3A_57 : memref<632x128xf32, #tpu.memory_space<vmem_shared>>) target_semaphore(%run_scoped3A : memref<!tpu.dma_semaphore, #tpu.memory_space<semaphore_mem>>)
      %dma_wait3A = arith.constant 0 : i32
      %dma_wait3A_60 = tpu.memref_slice %arg13[%multiple_of3A, %dma_wait3A] : memref<10000x128xf32, #tpu.memory_space<vmem_shared>> -> memref<632x128xf32, #tpu.memory_space<vmem_shared>>
      %dma_wait3A_61 = arith.constant 0 : i32
      %dma_wait3A_62 = tpu.memref_slice %arg5[%multiple_of3A, %dma_wait3A_61] : memref<10000x128xf32, #tpu.memory_space<hbm>> -> memref<632x128xf32, #tpu.memory_space<hbm>>
      tpu.wait_dma2 semaphore(%run_scoped3A : memref<!tpu.dma_semaphore, #tpu.memory_space<semaphore_mem>>) src(%dma_wait3A_62 : memref<632x128xf32, #tpu.memory_space<hbm>>) dst(%dma_wait3A_60 : memref<632x128xf32, #tpu.memory_space<vmem_shared>>)
      tpu.yield
    }) : () -> ()
    %barrier3A = arith.constant 0 : index
    tpu.barrier barrier_id(%barrier3A)
    %mul3A_2 = arith.constant 625 : i32
    %mul3A_3 = arith.muli %arg0, %mul3A_2 : i32
    %mul3A_4 = arith.constant 39 : i32
    %mul3A_5 = arith.muli %arg1, %mul3A_4 : i32
    %add3A = arith.addi %mul3A_3, %mul3A_5 : i32
    %min3A = arith.constant 1 : i32
    %min3A_6 = arith.minsi %arg1, %min3A : i32
    %add3A_7 = arith.addi %add3A, %min3A_6 : i32
    %lt3A = arith.constant 1 : i32
    %lt3A_8 = arith.cmpi slt, %arg1, %lt3A : i32
    %jit3A = arith.constant 1 : i32
    %jit3A_9 = arith.constant 0 : i32
    %select_n3A = arith.select %lt3A_8, %jit3A, %jit3A_9 : i32
    %add3A_10 = arith.constant 39 : i32
    %add3A_11 = arith.addi %add3A_10, %select_n3A : i32
    %while3A = arith.constant 0 : i32
    %while3A_12 = arith.constant 0 : i32
    %while3A_13 = arith.subi %add3A_11, %while3A_12 : i32
    %while3A_14 = arith.addi %while3A_12, %while3A_13 : i32
    %while3A_15 = arith.constant 1 : i32
    %while3A_16 = arith.divsi %while3A_13, %while3A_15 : i32
    %while3A_17 = arith.muli %while3A_16, %while3A_15 : i32
    %while3A_18 = arith.addi %while3A_12, %while3A_17 : i32
    %while3A_19 = arith.constant 1 : i32
    scf.for %while3A_57 = %while3A_12 to %while3A_18 step %while3A_19  : i32 {
      %add3A_58 = arith.addi %add3A_7, %while3A_57 : i32
      %mul3A_59 = arith.constant 128 : i32
      %mul3A_60 = arith.muli %add3A_58, %mul3A_59 : i32
      "tpu.region"() ({
        %run_scoped3A = tpu.sem_alloc : memref<!tpu.dma_semaphore, #tpu.memory_space<semaphore_mem>>
        %dma_start3A = tpu.memref_slice %arg3[%mul3A_60] : memref<160000xi32, #tpu.memory_space<hbm>> -> memref<128xi32, #tpu.memory_space<hbm>>
        %dma_start3A_61 = tpu.memref_slice %arg3[%mul3A_60] : memref<160000xi32, #tpu.memory_space<hbm>> -> memref<128xi32, #tpu.memory_space<hbm>>
        tpu.enqueue_dma source(%dma_start3A_61 : memref<128xi32, #tpu.memory_space<hbm>>) target(%arg10 : memref<128xi32, #tpu.memory_space<vmem>>) target_semaphore(%run_scoped3A : memref<!tpu.dma_semaphore, #tpu.memory_space<semaphore_mem>>)
        %dma_wait3A = tpu.memref_slice %arg3[%mul3A_60] : memref<160000xi32, #tpu.memory_space<hbm>> -> memref<128xi32, #tpu.memory_space<hbm>>
        %dma_wait3A_62 = tpu.memref_slice %arg3[%mul3A_60] : memref<160000xi32, #tpu.memory_space<hbm>> -> memref<128xi32, #tpu.memory_space<hbm>>
        tpu.wait_dma2 semaphore(%run_scoped3A : memref<!tpu.dma_semaphore, #tpu.memory_space<semaphore_mem>>) src(%dma_wait3A_62 : memref<128xi32, #tpu.memory_space<hbm>>) dst(%arg10 : memref<128xi32, #tpu.memory_space<vmem>>)
        tpu.yield
      }) : () -> ()
      "tpu.region"() ({
        %run_scoped3A = tpu.sem_alloc : memref<!tpu.dma_semaphore, #tpu.memory_space<semaphore_mem>>
        %dma_start3A = arith.constant 0 : i32
        %dma_start3A_61 = arith.constant 0 : i32
        %dma_start3A_62 = tpu.memref_slice %arg13[%dma_start3A, %dma_start3A_61] : memref<10000x128xf32, #tpu.memory_space<vmem_shared>> -> memref<10000x128xf32, #tpu.memory_space<vmem_shared>>
        tpu.enqueue_indirect_dma source(%arg12 : memref<128x128xf32, #tpu.memory_space<vmem>>) target(%dma_start3A_62 : memref<10000x128xf32, #tpu.memory_space<vmem_shared>>) offsets(%arg10 : memref<128xi32, #tpu.memory_space<vmem>>) semaphore(%run_scoped3A : memref<!tpu.dma_semaphore, #tpu.memory_space<semaphore_mem>>) {add = true}
        %dma_wait3A = arith.constant 0 : i32
        %dma_wait3A_63 = arith.constant 0 : i32
        %dma_wait3A_64 = tpu.memref_slice %arg13[%dma_wait3A, %dma_wait3A_63] : memref<10000x128xf32, #tpu.memory_space<vmem_shared>> -> memref<10000x128xf32, #tpu.memory_space<vmem_shared>>
        tpu.wait_indirect_dma semaphore(%run_scoped3A : memref<!tpu.dma_semaphore, #tpu.memory_space<semaphore_mem>>) src(%arg12 : memref<128x128xf32, #tpu.memory_space<vmem>>) dst(%dma_wait3A_64 : memref<10000x128xf32, #tpu.memory_space<vmem_shared>>)
        tpu.yield
      }) : () -> ()
    }
    %while3A_20 = arith.constant 1 : i32
    scf.for %while3A_57 = %while3A_18 to %while3A_14 step %while3A_20  : i32 {
      %add3A_58 = arith.addi %add3A_7, %while3A_57 : i32
      %mul3A_59 = arith.constant 128 : i32
      %mul3A_60 = arith.muli %add3A_58, %mul3A_59 : i32
      "tpu.region"() ({
        %run_scoped3A = tpu.sem_alloc : memref<!tpu.dma_semaphore, #tpu.memory_space<semaphore_mem>>
        %dma_start3A = tpu.memref_slice %arg3[%mul3A_60] : memref<160000xi32, #tpu.memory_space<hbm>> -> memref<128xi32, #tpu.memory_space<hbm>>
        %dma_start3A_61 = tpu.memref_slice %arg3[%mul3A_60] : memref<160000xi32, #tpu.memory_space<hbm>> -> memref<128xi32, #tpu.memory_space<hbm>>
        tpu.enqueue_dma source(%dma_start3A_61 : memref<128xi32, #tpu.memory_space<hbm>>) target(%arg10 : memref<128xi32, #tpu.memory_space<vmem>>) target_semaphore(%run_scoped3A : memref<!tpu.dma_semaphore, #tpu.memory_space<semaphore_mem>>)
        %dma_wait3A = tpu.memref_slice %arg3[%mul3A_60] : memref<160000xi32, #tpu.memory_space<hbm>> -> memref<128xi32, #tpu.memory_space<hbm>>
        %dma_wait3A_62 = tpu.memref_slice %arg3[%mul3A_60] : memref<160000xi32, #tpu.memory_space<hbm>> -> memref<128xi32, #tpu.memory_space<hbm>>
        tpu.wait_dma2 semaphore(%run_scoped3A : memref<!tpu.dma_semaphore, #tpu.memory_space<semaphore_mem>>) src(%dma_wait3A_62 : memref<128xi32, #tpu.memory_space<hbm>>) dst(%arg10 : memref<128xi32, #tpu.memory_space<vmem>>)
        tpu.yield
      }) : () -> ()
      "tpu.region"() ({
        %run_scoped3A = tpu.sem_alloc : memref<!tpu.dma_semaphore, #tpu.memory_space<semaphore_mem>>
        %dma_start3A = arith.constant 0 : i32
        %dma_start3A_61 = arith.constant 0 : i32
        %dma_start3A_62 = tpu.memref_slice %arg13[%dma_start3A, %dma_start3A_61] : memref<10000x128xf32, #tpu.memory_space<vmem_shared>> -> memref<10000x128xf32, #tpu.memory_space<vmem_shared>>
        tpu.enqueue_indirect_dma source(%arg12 : memref<128x128xf32, #tpu.memory_space<vmem>>) target(%dma_start3A_62 : memref<10000x128xf32, #tpu.memory_space<vmem_shared>>) offsets(%arg10 : memref<128xi32, #tpu.memory_space<vmem>>) semaphore(%run_scoped3A : memref<!tpu.dma_semaphore, #tpu.memory_space<semaphore_mem>>) {add = true}
        %dma_wait3A = arith.constant 0 : i32
        %dma_wait3A_63 = arith.constant 0 : i32
        %dma_wait3A_64 = tpu.memref_slice %arg13[%dma_wait3A, %dma_wait3A_63] : memref<10000x128xf32, #tpu.memory_space<vmem_shared>> -> memref<10000x128xf32, #tpu.memory_space<vmem_shared>>
        tpu.wait_indirect_dma semaphore(%run_scoped3A : memref<!tpu.dma_semaphore, #tpu.memory_space<semaphore_mem>>) src(%arg12 : memref<128x128xf32, #tpu.memory_space<vmem>>) dst(%dma_wait3A_64 : memref<10000x128xf32, #tpu.memory_space<vmem_shared>>)
        tpu.yield
      }) : () -> ()
    }
    %barrier3A_21 = arith.constant 0 : index
    tpu.barrier barrier_id(%barrier3A_21)
    %mul3A_22 = arith.constant 10000 : i32
    %mul3A_23 = arith.muli %arg0, %mul3A_22 : i32
    %add3A_24 = arith.addi %mul3A_23, %multiple_of3A : i32
    "tpu.region"() ({
      %run_scoped3A = tpu.sem_alloc : memref<!tpu.dma_semaphore, #tpu.memory_space<semaphore_mem>>
      %dma_start3A = arith.constant 0 : i32
      %dma_start3A_57 = tpu.memref_slice %arg8[%add3A_24, %dma_start3A] : memref<20000x128xf32, #tpu.memory_space<hbm>> -> memref<632x128xf32, #tpu.memory_space<hbm>>
      %dma_start3A_58 = arith.constant 0 : i32
      %dma_start3A_59 = tpu.memref_slice %arg13[%multiple_of3A, %dma_start3A_58] : memref<10000x128xf32, #tpu.memory_space<vmem_shared>> -> memref<632x128xf32, #tpu.memory_space<vmem_shared>>
      tpu.enqueue_dma source(%dma_start3A_59 : memref<632x128xf32, #tpu.memory_space<vmem_shared>>) target(%dma_start3A_57 : memref<632x128xf32, #tpu.memory_space<hbm>>) target_semaphore(%run_scoped3A : memref<!tpu.dma_semaphore, #tpu.memory_space<semaphore_mem>>)
      %dma_wait3A = arith.constant 0 : i32
      %dma_wait3A_60 = tpu.memref_slice %arg8[%add3A_24, %dma_wait3A] : memref<20000x128xf32, #tpu.memory_space<hbm>> -> memref<632x128xf32, #tpu.memory_space<hbm>>
      %dma_wait3A_61 = arith.constant 0 : i32
      %dma_wait3A_62 = tpu.memref_slice %arg13[%multiple_of3A, %dma_wait3A_61] : memref<10000x128xf32, #tpu.memory_space<vmem_shared>> -> memref<632x128xf32, #tpu.memory_space<vmem_shared>>
      tpu.wait_dma2 semaphore(%run_scoped3A : memref<!tpu.dma_semaphore, #tpu.memory_space<semaphore_mem>>) src(%dma_wait3A_62 : memref<632x128xf32, #tpu.memory_space<vmem_shared>>) dst(%dma_wait3A_60 : memref<632x128xf32, #tpu.memory_space<hbm>>)
      tpu.yield
    }) : () -> ()
    %barrier3A_25 = arith.constant 0 : index
    tpu.barrier barrier_id(%barrier3A_25)
    "tpu.region"() ({
      %run_scoped3A = tpu.sem_alloc : memref<!tpu.dma_semaphore, #tpu.memory_space<semaphore_mem>>
      %dma_start3A = arith.constant 0 : i32
      %dma_start3A_57 = tpu.memref_slice %arg13[%multiple_of3A, %dma_start3A] : memref<10000x128xf32, #tpu.memory_space<vmem_shared>> -> memref<632x128xf32, #tpu.memory_space<vmem_shared>>
      %dma_start3A_58 = arith.constant 0 : i32
      %dma_start3A_59 = tpu.memref_slice %arg5[%multiple_of3A, %dma_start3A_58] : memref<10000x128xf32, #tpu.memory_space<hbm>> -> memref<632x128xf32, #tpu.memory_space<hbm>>
      tpu.enqueue_dma source(%dma_start3A_59 : memref<632x128xf32, #tpu.memory_space<hbm>>) target(%dma_start3A_57 : memref<632x128xf32, #tpu.memory_space<vmem_shared>>) target_semaphore(%run_scoped3A : memref<!tpu.dma_semaphore, #tpu.memory_space<semaphore_mem>>)
      %dma_wait3A = arith.constant 0 : i32
      %dma_wait3A_60 = tpu.memref_slice %arg13[%multiple_of3A, %dma_wait3A] : memref<10000x128xf32, #tpu.memory_space<vmem_shared>> -> memref<632x128xf32, #tpu.memory_space<vmem_shared>>
      %dma_wait3A_61 = arith.constant 0 : i32
      %dma_wait3A_62 = tpu.memref_slice %arg5[%multiple_of3A, %dma_wait3A_61] : memref<10000x128xf32, #tpu.memory_space<hbm>> -> memref<632x128xf32, #tpu.memory_space<hbm>>
      tpu.wait_dma2 semaphore(%run_scoped3A : memref<!tpu.dma_semaphore, #tpu.memory_space<semaphore_mem>>) src(%dma_wait3A_62 : memref<632x128xf32, #tpu.memory_space<hbm>>) dst(%dma_wait3A_60 : memref<632x128xf32, #tpu.memory_space<vmem_shared>>)
      tpu.yield
    }) : () -> ()
    %barrier3A_26 = arith.constant 0 : index
    tpu.barrier barrier_id(%barrier3A_26)
    %mul3A_27 = arith.constant 78 : i32
    %mul3A_28 = arith.muli %arg1, %mul3A_27 : i32
    %min3A_29 = arith.constant 2 : i32
    %min3A_30 = arith.minsi %arg1, %min3A_29 : i32
    %add3A_31 = arith.addi %mul3A_28, %min3A_30 : i32
    %lt3A_32 = arith.constant 2 : i32
    %lt3A_33 = arith.cmpi slt, %arg1, %lt3A_32 : i32
    %jit3A_34 = arith.constant 1 : i32
    %jit3A_35 = arith.constant 0 : i32
    %select_n3A_36 = arith.select %lt3A_33, %jit3A_34, %jit3A_35 : i32
    %add3A_37 = arith.constant 78 : i32
    %add3A_38 = arith.addi %add3A_37, %select_n3A_36 : i32
    %mul3A_39 = arith.constant 1 : i32
    %mul3A_40 = arith.muli %arg0, %mul3A_39 : i32
    %add3A_41 = arith.constant 0 : i32
    %add3A_42 = arith.addi %mul3A_40, %add3A_41 : i32
    %while3A_43 = arith.constant 0 : i32
    %while3A_44 = arith.constant 0 : i32
    %while3A_45 = arith.subi %add3A_38, %while3A_44 : i32
    %while3A_46 = arith.addi %while3A_44, %while3A_45 : i32
    %while3A_47 = arith.constant 1 : i32
    %while3A_48 = arith.divsi %while3A_45, %while3A_47 : i32
    %while3A_49 = arith.muli %while3A_48, %while3A_47 : i32
    %while3A_50 = arith.addi %while3A_44, %while3A_49 : i32
    %while3A_51 = arith.constant 1 : i32
    scf.for %while3A_57 = %while3A_44 to %while3A_50 step %while3A_51  : i32 {
      %add3A_58 = arith.addi %add3A_31, %while3A_57 : i32
      %mul3A_59 = arith.constant 160000 : i32
      %mul3A_60 = arith.muli %add3A_42, %mul3A_59 : i32
      %mul3A_61 = arith.constant 128 : i32
      %mul3A_62 = arith.muli %add3A_58, %mul3A_61 : i32
      %add3A_63 = arith.addi %mul3A_60, %mul3A_62 : i32
      "tpu.region"() ({
        %run_scoped3A = tpu.sem_alloc : memref<!tpu.dma_semaphore, #tpu.memory_space<semaphore_mem>>
        %dma_start3A_70 = tpu.memref_slice %arg2[%add3A_63] : memref<320000xi32, #tpu.memory_space<hbm>> -> memref<128xi32, #tpu.memory_space<hbm>>
        %dma_start3A_71 = tpu.memref_slice %arg2[%add3A_63] : memref<320000xi32, #tpu.memory_space<hbm>> -> memref<128xi32, #tpu.memory_space<hbm>>
        tpu.enqueue_dma source(%dma_start3A_71 : memref<128xi32, #tpu.memory_space<hbm>>) target(%arg9 : memref<128xi32, #tpu.memory_space<vmem>>) target_semaphore(%run_scoped3A : memref<!tpu.dma_semaphore, #tpu.memory_space<semaphore_mem>>)
        %dma_wait3A_72 = tpu.memref_slice %arg2[%add3A_63] : memref<320000xi32, #tpu.memory_space<hbm>> -> memref<128xi32, #tpu.memory_space<hbm>>
        %dma_wait3A_73 = tpu.memref_slice %arg2[%add3A_63] : memref<320000xi32, #tpu.memory_space<hbm>> -> memref<128xi32, #tpu.memory_space<hbm>>
        tpu.wait_dma2 semaphore(%run_scoped3A : memref<!tpu.dma_semaphore, #tpu.memory_space<semaphore_mem>>) src(%dma_wait3A_73 : memref<128xi32, #tpu.memory_space<hbm>>) dst(%arg9 : memref<128xi32, #tpu.memory_space<vmem>>)
        tpu.yield
      }) : () -> ()
      %mul3A_64 = arith.constant 128 : i32
      %mul3A_65 = arith.muli %add3A_58, %mul3A_64 : i32
      "tpu.region"() ({
        %run_scoped3A = tpu.sem_alloc : memref<!tpu.dma_semaphore, #tpu.memory_space<semaphore_mem>>
        %dma_start3A_70 = tpu.memref_slice %arg3[%mul3A_65] : memref<160000xi32, #tpu.memory_space<hbm>> -> memref<128xi32, #tpu.memory_space<hbm>>
        %dma_start3A_71 = tpu.memref_slice %arg3[%mul3A_65] : memref<160000xi32, #tpu.memory_space<hbm>> -> memref<128xi32, #tpu.memory_space<hbm>>
        tpu.enqueue_dma source(%dma_start3A_71 : memref<128xi32, #tpu.memory_space<hbm>>) target(%arg10 : memref<128xi32, #tpu.memory_space<vmem>>) target_semaphore(%run_scoped3A : memref<!tpu.dma_semaphore, #tpu.memory_space<semaphore_mem>>)
        %dma_wait3A_72 = tpu.memref_slice %arg3[%mul3A_65] : memref<160000xi32, #tpu.memory_space<hbm>> -> memref<128xi32, #tpu.memory_space<hbm>>
        %dma_wait3A_73 = tpu.memref_slice %arg3[%mul3A_65] : memref<160000xi32, #tpu.memory_space<hbm>> -> memref<128xi32, #tpu.memory_space<hbm>>
        tpu.wait_dma2 semaphore(%run_scoped3A : memref<!tpu.dma_semaphore, #tpu.memory_space<semaphore_mem>>) src(%dma_wait3A_73 : memref<128xi32, #tpu.memory_space<hbm>>) dst(%arg10 : memref<128xi32, #tpu.memory_space<vmem>>)
        tpu.yield
      }) : () -> ()
      %dma_start3A = arith.constant 0 : i32
      %dma_start3A_66 = arith.constant 0 : i32
      %dma_start3A_67 = tpu.memref_slice %arg4[%dma_start3A, %dma_start3A_66] : memref<20000x128xf32, #tpu.memory_space<hbm>> -> memref<20000x128xf32, #tpu.memory_space<hbm>>
      tpu.enqueue_indirect_dma source(%dma_start3A_67 : memref<20000x128xf32, #tpu.memory_space<hbm>>) target(%arg11 : memref<128x128xf32, #tpu.memory_space<vmem>>) offsets(%arg9 : memref<128xi32, #tpu.memory_space<vmem>>) semaphore(%arg14 : memref<!tpu.dma_semaphore, #tpu.memory_space<semaphore_mem>>)
      %dma_wait3A = arith.constant 0 : i32
      %dma_wait3A_68 = arith.constant 0 : i32
      %dma_wait3A_69 = tpu.memref_slice %arg4[%dma_wait3A, %dma_wait3A_68] : memref<20000x128xf32, #tpu.memory_space<hbm>> -> memref<20000x128xf32, #tpu.memory_space<hbm>>
      tpu.wait_indirect_dma semaphore(%arg14 : memref<!tpu.dma_semaphore, #tpu.memory_space<semaphore_mem>>) src(%dma_wait3A_69 : memref<20000x128xf32, #tpu.memory_space<hbm>>) dst(%arg11 : memref<128x128xf32, #tpu.memory_space<vmem>>)
      "tpu.region"() ({
        %run_scoped3A = tpu.sem_alloc : memref<!tpu.dma_semaphore, #tpu.memory_space<semaphore_mem>>
        %dma_start3A_70 = arith.constant 0 : i32
        %dma_start3A_71 = arith.constant 0 : i32
        %dma_start3A_72 = tpu.memref_slice %arg13[%dma_start3A_70, %dma_start3A_71] : memref<10000x128xf32, #tpu.memory_space<vmem_shared>> -> memref<10000x128xf32, #tpu.memory_space<vmem_shared>>
        tpu.enqueue_indirect_dma source(%arg11 : memref<128x128xf32, #tpu.memory_space<vmem>>) target(%dma_start3A_72 : memref<10000x128xf32, #tpu.memory_space<vmem_shared>>) offsets(%arg10 : memref<128xi32, #tpu.memory_space<vmem>>) semaphore(%run_scoped3A : memref<!tpu.dma_semaphore, #tpu.memory_space<semaphore_mem>>) {add = true}
        %dma_wait3A_73 = arith.constant 0 : i32
        %dma_wait3A_74 = arith.constant 0 : i32
        %dma_wait3A_75 = tpu.memref_slice %arg13[%dma_wait3A_73, %dma_wait3A_74] : memref<10000x128xf32, #tpu.memory_space<vmem_shared>> -> memref<10000x128xf32, #tpu.memory_space<vmem_shared>>
        tpu.wait_indirect_dma semaphore(%run_scoped3A : memref<!tpu.dma_semaphore, #tpu.memory_space<semaphore_mem>>) src(%arg11 : memref<128x128xf32, #tpu.memory_space<vmem>>) dst(%dma_wait3A_75 : memref<10000x128xf32, #tpu.memory_space<vmem_shared>>)
        tpu.yield
      }) : () -> ()
    }
    %while3A_52 = arith.constant 1 : i32
    scf.for %while3A_57 = %while3A_50 to %while3A_46 step %while3A_52  : i32 {
      %add3A_58 = arith.addi %add3A_31, %while3A_57 : i32
      %mul3A_59 = arith.constant 160000 : i32
      %mul3A_60 = arith.muli %add3A_42, %mul3A_59 : i32
      %mul3A_61 = arith.constant 128 : i32
      %mul3A_62 = arith.muli %add3A_58, %mul3A_61 : i32
      %add3A_63 = arith.addi %mul3A_60, %mul3A_62 : i32
      "tpu.region"() ({
        %run_scoped3A = tpu.sem_alloc : memref<!tpu.dma_semaphore, #tpu.memory_space<semaphore_mem>>
        %dma_start3A_70 = tpu.memref_slice %arg2[%add3A_63] : memref<320000xi32, #tpu.memory_space<hbm>> -> memref<128xi32, #tpu.memory_space<hbm>>
        %dma_start3A_71 = tpu.memref_slice %arg2[%add3A_63] : memref<320000xi32, #tpu.memory_space<hbm>> -> memref<128xi32, #tpu.memory_space<hbm>>
        tpu.enqueue_dma source(%dma_start3A_71 : memref<128xi32, #tpu.memory_space<hbm>>) target(%arg9 : memref<128xi32, #tpu.memory_space<vmem>>) target_semaphore(%run_scoped3A : memref<!tpu.dma_semaphore, #tpu.memory_space<semaphore_mem>>)
        %dma_wait3A_72 = tpu.memref_slice %arg2[%add3A_63] : memref<320000xi32, #tpu.memory_space<hbm>> -> memref<128xi32, #tpu.memory_space<hbm>>
        %dma_wait3A_73 = tpu.memref_slice %arg2[%add3A_63] : memref<320000xi32, #tpu.memory_space<hbm>> -> memref<128xi32, #tpu.memory_space<hbm>>
        tpu.wait_dma2 semaphore(%run_scoped3A : memref<!tpu.dma_semaphore, #tpu.memory_space<semaphore_mem>>) src(%dma_wait3A_73 : memref<128xi32, #tpu.memory_space<hbm>>) dst(%arg9 : memref<128xi32, #tpu.memory_space<vmem>>)
        tpu.yield
      }) : () -> ()
      %mul3A_64 = arith.constant 128 : i32
      %mul3A_65 = arith.muli %add3A_58, %mul3A_64 : i32
      "tpu.region"() ({
        %run_scoped3A = tpu.sem_alloc : memref<!tpu.dma_semaphore, #tpu.memory_space<semaphore_mem>>
        %dma_start3A_70 = tpu.memref_slice %arg3[%mul3A_65] : memref<160000xi32, #tpu.memory_space<hbm>> -> memref<128xi32, #tpu.memory_space<hbm>>
        %dma_start3A_71 = tpu.memref_slice %arg3[%mul3A_65] : memref<160000xi32, #tpu.memory_space<hbm>> -> memref<128xi32, #tpu.memory_space<hbm>>
        tpu.enqueue_dma source(%dma_start3A_71 : memref<128xi32, #tpu.memory_space<hbm>>) target(%arg10 : memref<128xi32, #tpu.memory_space<vmem>>) target_semaphore(%run_scoped3A : memref<!tpu.dma_semaphore, #tpu.memory_space<semaphore_mem>>)
        %dma_wait3A_72 = tpu.memref_slice %arg3[%mul3A_65] : memref<160000xi32, #tpu.memory_space<hbm>> -> memref<128xi32, #tpu.memory_space<hbm>>
        %dma_wait3A_73 = tpu.memref_slice %arg3[%mul3A_65] : memref<160000xi32, #tpu.memory_space<hbm>> -> memref<128xi32, #tpu.memory_space<hbm>>
        tpu.wait_dma2 semaphore(%run_scoped3A : memref<!tpu.dma_semaphore, #tpu.memory_space<semaphore_mem>>) src(%dma_wait3A_73 : memref<128xi32, #tpu.memory_space<hbm>>) dst(%arg10 : memref<128xi32, #tpu.memory_space<vmem>>)
        tpu.yield
      }) : () -> ()
      %dma_start3A = arith.constant 0 : i32
      %dma_start3A_66 = arith.constant 0 : i32
      %dma_start3A_67 = tpu.memref_slice %arg4[%dma_start3A, %dma_start3A_66] : memref<20000x128xf32, #tpu.memory_space<hbm>> -> memref<20000x128xf32, #tpu.memory_space<hbm>>
      tpu.enqueue_indirect_dma source(%dma_start3A_67 : memref<20000x128xf32, #tpu.memory_space<hbm>>) target(%arg11 : memref<128x128xf32, #tpu.memory_space<vmem>>) offsets(%arg9 : memref<128xi32, #tpu.memory_space<vmem>>) semaphore(%arg14 : memref<!tpu.dma_semaphore, #tpu.memory_space<semaphore_mem>>)
      %dma_wait3A = arith.constant 0 : i32
      %dma_wait3A_68 = arith.constant 0 : i32
      %dma_wait3A_69 = tpu.memref_slice %arg4[%dma_wait3A, %dma_wait3A_68] : memref<20000x128xf32, #tpu.memory_space<hbm>> -> memref<20000x128xf32, #tpu.memory_space<hbm>>
      tpu.wait_indirect_dma semaphore(%arg14 : memref<!tpu.dma_semaphore, #tpu.memory_space<semaphore_mem>>) src(%dma_wait3A_69 : memref<20000x128xf32, #tpu.memory_space<hbm>>) dst(%arg11 : memref<128x128xf32, #tpu.memory_space<vmem>>)
      "tpu.region"() ({
        %run_scoped3A = tpu.sem_alloc : memref<!tpu.dma_semaphore, #tpu.memory_space<semaphore_mem>>
        %dma_start3A_70 = arith.constant 0 : i32
        %dma_start3A_71 = arith.constant 0 : i32
        %dma_start3A_72 = tpu.memref_slice %arg13[%dma_start3A_70, %dma_start3A_71] : memref<10000x128xf32, #tpu.memory_space<vmem_shared>> -> memref<10000x128xf32, #tpu.memory_space<vmem_shared>>
        tpu.enqueue_indirect_dma source(%arg11 : memref<128x128xf32, #tpu.memory_space<vmem>>) target(%dma_start3A_72 : memref<10000x128xf32, #tpu.memory_space<vmem_shared>>) offsets(%arg10 : memref<128xi32, #tpu.memory_space<vmem>>) semaphore(%run_scoped3A : memref<!tpu.dma_semaphore, #tpu.memory_space<semaphore_mem>>) {add = true}
        %dma_wait3A_73 = arith.constant 0 : i32
        %dma_wait3A_74 = arith.constant 0 : i32
        %dma_wait3A_75 = tpu.memref_slice %arg13[%dma_wait3A_73, %dma_wait3A_74] : memref<10000x128xf32, #tpu.memory_space<vmem_shared>> -> memref<10000x128xf32, #tpu.memory_space<vmem_shared>>
        tpu.wait_indirect_dma semaphore(%run_scoped3A : memref<!tpu.dma_semaphore, #tpu.memory_space<semaphore_mem>>) src(%arg11 : memref<128x128xf32, #tpu.memory_space<vmem>>) dst(%dma_wait3A_75 : memref<10000x128xf32, #tpu.memory_space<vmem_shared>>)
        tpu.yield
      }) : () -> ()
    }
    %barrier3A_53 = arith.constant 0 : index
    tpu.barrier barrier_id(%barrier3A_53)
    %mul3A_54 = arith.constant 10000 : i32
    %mul3A_55 = arith.muli %add3A_42, %mul3A_54 : i32
    %add3A_56 = arith.addi %mul3A_55, %multiple_of3A : i32
    "tpu.region"() ({
      %run_scoped3A = tpu.sem_alloc : memref<!tpu.dma_semaphore, #tpu.memory_space<semaphore_mem>>
      %dma_start3A = arith.constant 0 : i32
      %dma_start3A_57 = tpu.memref_slice %arg7[%add3A_56, %dma_start3A] : memref<20000x128xf32, #tpu.memory_space<hbm>> -> memref<632x128xf32, #tpu.memory_space<hbm>>
      %dma_start3A_58 = arith.constant 0 : i32
      %dma_start3A_59 = tpu.memref_slice %arg13[%multiple_of3A, %dma_start3A_58] : memref<10000x128xf32, #tpu.memory_space<vmem_shared>> -> memref<632x128xf32, #tpu.memory_space<vmem_shared>>
      tpu.enqueue_dma source(%dma_start3A_59 : memref<632x128xf32, #tpu.memory_space<vmem_shared>>) target(%dma_start3A_57 : memref<632x128xf32, #tpu.memory_space<hbm>>) target_semaphore(%run_scoped3A : memref<!tpu.dma_semaphore, #tpu.memory_space<semaphore_mem>>)
      %dma_wait3A = arith.constant 0 : i32
      %dma_wait3A_60 = tpu.memref_slice %arg7[%add3A_56, %dma_wait3A] : memref<20000x128xf32, #tpu.memory_space<hbm>> -> memref<632x128xf32, #tpu.memory_space<hbm>>
      %dma_wait3A_61 = arith.constant 0 : i32
      %dma_wait3A_62 = tpu.memref_slice %arg13[%multiple_of3A, %dma_wait3A_61] : memref<10000x128xf32, #tpu.memory_space<vmem_shared>> -> memref<632x128xf32, #tpu.memory_space<vmem_shared>>
      tpu.wait_dma2 semaphore(%run_scoped3A : memref<!tpu.dma_semaphore, #tpu.memory_space<semaphore_mem>>) src(%dma_wait3A_62 : memref<632x128xf32, #tpu.memory_space<vmem_shared>>) dst(%dma_wait3A_60 : memref<632x128xf32, #tpu.memory_space<hbm>>)
      tpu.yield
    }) : () -> ()
    return
  }
}

#map = affine_map<(d0, d1) -> (0)>
#map1 = affine_map<(d0, d1) -> (0, 0)>
module attributes {stable_mosaic.version = 14 : i64} {
  func.func @seg_kernel(%arg0: i32, %arg1: i32, %arg2: memref<640000xi32, #tpu.memory_space<hbm>>, %arg3: memref<160000xi32, #tpu.memory_space<hbm>>, %arg4: memref<40000x128xf32, #tpu.memory_space<hbm>>, %arg5: memref<10000x128xf32, #tpu.memory_space<hbm>>, %arg6: memref<128x128xf32, #tpu.memory_space<hbm>>, %arg7: memref<40000x128xf32, #tpu.memory_space<hbm>>, %arg8: memref<20000x128xf32, #tpu.memory_space<hbm>>, %arg9: memref<128xi32, #tpu.memory_space<vmem>>, %arg10: memref<128xi32, #tpu.memory_space<vmem>>, %arg11: memref<128x128xf32, #tpu.memory_space<vmem>>, %arg12: memref<128x128xf32, #tpu.memory_space<vmem>>, %arg13: memref<10000x128xf32, #tpu.memory_space<vmem_shared>>, %arg14: memref<!tpu.dma_semaphore, #tpu.memory_space<semaphore_mem>>) attributes {dimension_semantics = [#tpu.dimension_semantics<core_parallel>, #tpu.dimension_semantics<subcore_parallel>], iteration_bounds = array<i64: 2, 16>, scalar_prefetch = 0 : i64, scratch_operands = 6 : i64, tpu.core_type = #tpu.core_type<sc_vector_subcore>, window_params = [{transform_indices = #map}, {transform_indices = #map}, {transform_indices = #map1}, {transform_indices = #map1}, {transform_indices = #map1}, {transform_indices = #map1}, {transform_indices = #map1}]} {
    %mul3A = arith.constant 625 : i32
    %mul3A_0 = arith.muli %arg1, %mul3A : i32
    %rem3A = arith.constant 8 : i32
    %rem3A_1 = arith.remsi %arg1, %rem3A : i32
    %sub3A = arith.subi %mul3A_0, %rem3A_1 : i32
    %multiple_of3A = tpu.assume_multiple %sub3A, 8 : i32
    "tpu.region"() ({
      %run_scoped3A = tpu.sem_alloc : memref<!tpu.dma_semaphore, #tpu.memory_space<semaphore_mem>>
      tpu.enqueue_dma source(%arg6 : memref<128x128xf32, #tpu.memory_space<hbm>>) target(%arg12 : memref<128x128xf32, #tpu.memory_space<vmem>>) target_semaphore(%run_scoped3A : memref<!tpu.dma_semaphore, #tpu.memory_space<semaphore_mem>>)
      tpu.wait_dma2 semaphore(%run_scoped3A : memref<!tpu.dma_semaphore, #tpu.memory_space<semaphore_mem>>) src(%arg6 : memref<128x128xf32, #tpu.memory_space<hbm>>) dst(%arg12 : memref<128x128xf32, #tpu.memory_space<vmem>>)
      tpu.yield
    }) : () -> ()
    "tpu.region"() ({
      %run_scoped3A = tpu.sem_alloc : memref<!tpu.dma_semaphore, #tpu.memory_space<semaphore_mem>>
      %dma_start3A = arith.constant 0 : i32
      %dma_start3A_77 = tpu.memref_slice %arg13[%multiple_of3A, %dma_start3A] : memref<10000x128xf32, #tpu.memory_space<vmem_shared>> -> memref<632x128xf32, #tpu.memory_space<vmem_shared>>
      %dma_start3A_78 = arith.constant 0 : i32
      %dma_start3A_79 = tpu.memref_slice %arg5[%multiple_of3A, %dma_start3A_78] : memref<10000x128xf32, #tpu.memory_space<hbm>> -> memref<632x128xf32, #tpu.memory_space<hbm>>
      tpu.enqueue_dma source(%dma_start3A_79 : memref<632x128xf32, #tpu.memory_space<hbm>>) target(%dma_start3A_77 : memref<632x128xf32, #tpu.memory_space<vmem_shared>>) target_semaphore(%run_scoped3A : memref<!tpu.dma_semaphore, #tpu.memory_space<semaphore_mem>>)
      %dma_wait3A = arith.constant 0 : i32
      %dma_wait3A_80 = tpu.memref_slice %arg13[%multiple_of3A, %dma_wait3A] : memref<10000x128xf32, #tpu.memory_space<vmem_shared>> -> memref<632x128xf32, #tpu.memory_space<vmem_shared>>
      %dma_wait3A_81 = arith.constant 0 : i32
      %dma_wait3A_82 = tpu.memref_slice %arg5[%multiple_of3A, %dma_wait3A_81] : memref<10000x128xf32, #tpu.memory_space<hbm>> -> memref<632x128xf32, #tpu.memory_space<hbm>>
      tpu.wait_dma2 semaphore(%run_scoped3A : memref<!tpu.dma_semaphore, #tpu.memory_space<semaphore_mem>>) src(%dma_wait3A_82 : memref<632x128xf32, #tpu.memory_space<hbm>>) dst(%dma_wait3A_80 : memref<632x128xf32, #tpu.memory_space<vmem_shared>>)
      tpu.yield
    }) : () -> ()
    %barrier3A = arith.constant 0 : index
    tpu.barrier barrier_id(%barrier3A)
    %mul3A_2 = arith.constant 625 : i32
    %mul3A_3 = arith.muli %arg0, %mul3A_2 : i32
    %mul3A_4 = arith.constant 39 : i32
    %mul3A_5 = arith.muli %arg1, %mul3A_4 : i32
    %add3A = arith.addi %mul3A_3, %mul3A_5 : i32
    %min3A = arith.constant 1 : i32
    %min3A_6 = arith.minsi %arg1, %min3A : i32
    %add3A_7 = arith.addi %add3A, %min3A_6 : i32
    %lt3A = arith.constant 1 : i32
    %lt3A_8 = arith.cmpi slt, %arg1, %lt3A : i32
    %jit3A = arith.constant 1 : i32
    %jit3A_9 = arith.constant 0 : i32
    %select_n3A = arith.select %lt3A_8, %jit3A, %jit3A_9 : i32
    %add3A_10 = arith.constant 39 : i32
    %add3A_11 = arith.addi %add3A_10, %select_n3A : i32
    %while3A = arith.constant 0 : i32
    %while3A_12 = arith.constant 0 : i32
    %while3A_13 = arith.subi %add3A_11, %while3A_12 : i32
    %while3A_14 = arith.addi %while3A_12, %while3A_13 : i32
    %while3A_15 = arith.constant 1 : i32
    %while3A_16 = arith.divsi %while3A_13, %while3A_15 : i32
    %while3A_17 = arith.muli %while3A_16, %while3A_15 : i32
    %while3A_18 = arith.addi %while3A_12, %while3A_17 : i32
    %while3A_19 = arith.constant 1 : i32
    scf.for %while3A_77 = %while3A_12 to %while3A_18 step %while3A_19  : i32 {
      %add3A_78 = arith.addi %add3A_7, %while3A_77 : i32
      %mul3A_79 = arith.constant 128 : i32
      %mul3A_80 = arith.muli %add3A_78, %mul3A_79 : i32
      "tpu.region"() ({
        %run_scoped3A = tpu.sem_alloc : memref<!tpu.dma_semaphore, #tpu.memory_space<semaphore_mem>>
        %dma_start3A = tpu.memref_slice %arg3[%mul3A_80] : memref<160000xi32, #tpu.memory_space<hbm>> -> memref<128xi32, #tpu.memory_space<hbm>>
        %dma_start3A_81 = tpu.memref_slice %arg3[%mul3A_80] : memref<160000xi32, #tpu.memory_space<hbm>> -> memref<128xi32, #tpu.memory_space<hbm>>
        tpu.enqueue_dma source(%dma_start3A_81 : memref<128xi32, #tpu.memory_space<hbm>>) target(%arg10 : memref<128xi32, #tpu.memory_space<vmem>>) target_semaphore(%run_scoped3A : memref<!tpu.dma_semaphore, #tpu.memory_space<semaphore_mem>>)
        %dma_wait3A = tpu.memref_slice %arg3[%mul3A_80] : memref<160000xi32, #tpu.memory_space<hbm>> -> memref<128xi32, #tpu.memory_space<hbm>>
        %dma_wait3A_82 = tpu.memref_slice %arg3[%mul3A_80] : memref<160000xi32, #tpu.memory_space<hbm>> -> memref<128xi32, #tpu.memory_space<hbm>>
        tpu.wait_dma2 semaphore(%run_scoped3A : memref<!tpu.dma_semaphore, #tpu.memory_space<semaphore_mem>>) src(%dma_wait3A_82 : memref<128xi32, #tpu.memory_space<hbm>>) dst(%arg10 : memref<128xi32, #tpu.memory_space<vmem>>)
        tpu.yield
      }) : () -> ()
      "tpu.region"() ({
        %run_scoped3A = tpu.sem_alloc : memref<!tpu.dma_semaphore, #tpu.memory_space<semaphore_mem>>
        %dma_start3A = arith.constant 0 : i32
        %dma_start3A_81 = arith.constant 0 : i32
        %dma_start3A_82 = tpu.memref_slice %arg13[%dma_start3A, %dma_start3A_81] : memref<10000x128xf32, #tpu.memory_space<vmem_shared>> -> memref<10000x128xf32, #tpu.memory_space<vmem_shared>>
        tpu.enqueue_indirect_dma source(%arg12 : memref<128x128xf32, #tpu.memory_space<vmem>>) target(%dma_start3A_82 : memref<10000x128xf32, #tpu.memory_space<vmem_shared>>) offsets(%arg10 : memref<128xi32, #tpu.memory_space<vmem>>) semaphore(%run_scoped3A : memref<!tpu.dma_semaphore, #tpu.memory_space<semaphore_mem>>) {add = true}
        %dma_wait3A = arith.constant 0 : i32
        %dma_wait3A_83 = arith.constant 0 : i32
        %dma_wait3A_84 = tpu.memref_slice %arg13[%dma_wait3A, %dma_wait3A_83] : memref<10000x128xf32, #tpu.memory_space<vmem_shared>> -> memref<10000x128xf32, #tpu.memory_space<vmem_shared>>
        tpu.wait_indirect_dma semaphore(%run_scoped3A : memref<!tpu.dma_semaphore, #tpu.memory_space<semaphore_mem>>) src(%arg12 : memref<128x128xf32, #tpu.memory_space<vmem>>) dst(%dma_wait3A_84 : memref<10000x128xf32, #tpu.memory_space<vmem_shared>>)
        tpu.yield
      }) : () -> ()
    }
    %while3A_20 = arith.constant 1 : i32
    scf.for %while3A_77 = %while3A_18 to %while3A_14 step %while3A_20  : i32 {
      %add3A_78 = arith.addi %add3A_7, %while3A_77 : i32
      %mul3A_79 = arith.constant 128 : i32
      %mul3A_80 = arith.muli %add3A_78, %mul3A_79 : i32
      "tpu.region"() ({
        %run_scoped3A = tpu.sem_alloc : memref<!tpu.dma_semaphore, #tpu.memory_space<semaphore_mem>>
        %dma_start3A = tpu.memref_slice %arg3[%mul3A_80] : memref<160000xi32, #tpu.memory_space<hbm>> -> memref<128xi32, #tpu.memory_space<hbm>>
        %dma_start3A_81 = tpu.memref_slice %arg3[%mul3A_80] : memref<160000xi32, #tpu.memory_space<hbm>> -> memref<128xi32, #tpu.memory_space<hbm>>
        tpu.enqueue_dma source(%dma_start3A_81 : memref<128xi32, #tpu.memory_space<hbm>>) target(%arg10 : memref<128xi32, #tpu.memory_space<vmem>>) target_semaphore(%run_scoped3A : memref<!tpu.dma_semaphore, #tpu.memory_space<semaphore_mem>>)
        %dma_wait3A = tpu.memref_slice %arg3[%mul3A_80] : memref<160000xi32, #tpu.memory_space<hbm>> -> memref<128xi32, #tpu.memory_space<hbm>>
        %dma_wait3A_82 = tpu.memref_slice %arg3[%mul3A_80] : memref<160000xi32, #tpu.memory_space<hbm>> -> memref<128xi32, #tpu.memory_space<hbm>>
        tpu.wait_dma2 semaphore(%run_scoped3A : memref<!tpu.dma_semaphore, #tpu.memory_space<semaphore_mem>>) src(%dma_wait3A_82 : memref<128xi32, #tpu.memory_space<hbm>>) dst(%arg10 : memref<128xi32, #tpu.memory_space<vmem>>)
        tpu.yield
      }) : () -> ()
      "tpu.region"() ({
        %run_scoped3A = tpu.sem_alloc : memref<!tpu.dma_semaphore, #tpu.memory_space<semaphore_mem>>
        %dma_start3A = arith.constant 0 : i32
        %dma_start3A_81 = arith.constant 0 : i32
        %dma_start3A_82 = tpu.memref_slice %arg13[%dma_start3A, %dma_start3A_81] : memref<10000x128xf32, #tpu.memory_space<vmem_shared>> -> memref<10000x128xf32, #tpu.memory_space<vmem_shared>>
        tpu.enqueue_indirect_dma source(%arg12 : memref<128x128xf32, #tpu.memory_space<vmem>>) target(%dma_start3A_82 : memref<10000x128xf32, #tpu.memory_space<vmem_shared>>) offsets(%arg10 : memref<128xi32, #tpu.memory_space<vmem>>) semaphore(%run_scoped3A : memref<!tpu.dma_semaphore, #tpu.memory_space<semaphore_mem>>) {add = true}
        %dma_wait3A = arith.constant 0 : i32
        %dma_wait3A_83 = arith.constant 0 : i32
        %dma_wait3A_84 = tpu.memref_slice %arg13[%dma_wait3A, %dma_wait3A_83] : memref<10000x128xf32, #tpu.memory_space<vmem_shared>> -> memref<10000x128xf32, #tpu.memory_space<vmem_shared>>
        tpu.wait_indirect_dma semaphore(%run_scoped3A : memref<!tpu.dma_semaphore, #tpu.memory_space<semaphore_mem>>) src(%arg12 : memref<128x128xf32, #tpu.memory_space<vmem>>) dst(%dma_wait3A_84 : memref<10000x128xf32, #tpu.memory_space<vmem_shared>>)
        tpu.yield
      }) : () -> ()
    }
    %barrier3A_21 = arith.constant 0 : index
    tpu.barrier barrier_id(%barrier3A_21)
    %mul3A_22 = arith.constant 10000 : i32
    %mul3A_23 = arith.muli %arg0, %mul3A_22 : i32
    %add3A_24 = arith.addi %mul3A_23, %multiple_of3A : i32
    "tpu.region"() ({
      %run_scoped3A = tpu.sem_alloc : memref<!tpu.dma_semaphore, #tpu.memory_space<semaphore_mem>>
      %dma_start3A = arith.constant 0 : i32
      %dma_start3A_77 = tpu.memref_slice %arg8[%add3A_24, %dma_start3A] : memref<20000x128xf32, #tpu.memory_space<hbm>> -> memref<632x128xf32, #tpu.memory_space<hbm>>
      %dma_start3A_78 = arith.constant 0 : i32
      %dma_start3A_79 = tpu.memref_slice %arg13[%multiple_of3A, %dma_start3A_78] : memref<10000x128xf32, #tpu.memory_space<vmem_shared>> -> memref<632x128xf32, #tpu.memory_space<vmem_shared>>
      tpu.enqueue_dma source(%dma_start3A_79 : memref<632x128xf32, #tpu.memory_space<vmem_shared>>) target(%dma_start3A_77 : memref<632x128xf32, #tpu.memory_space<hbm>>) target_semaphore(%run_scoped3A : memref<!tpu.dma_semaphore, #tpu.memory_space<semaphore_mem>>)
      %dma_wait3A = arith.constant 0 : i32
      %dma_wait3A_80 = tpu.memref_slice %arg8[%add3A_24, %dma_wait3A] : memref<20000x128xf32, #tpu.memory_space<hbm>> -> memref<632x128xf32, #tpu.memory_space<hbm>>
      %dma_wait3A_81 = arith.constant 0 : i32
      %dma_wait3A_82 = tpu.memref_slice %arg13[%multiple_of3A, %dma_wait3A_81] : memref<10000x128xf32, #tpu.memory_space<vmem_shared>> -> memref<632x128xf32, #tpu.memory_space<vmem_shared>>
      tpu.wait_dma2 semaphore(%run_scoped3A : memref<!tpu.dma_semaphore, #tpu.memory_space<semaphore_mem>>) src(%dma_wait3A_82 : memref<632x128xf32, #tpu.memory_space<vmem_shared>>) dst(%dma_wait3A_80 : memref<632x128xf32, #tpu.memory_space<hbm>>)
      tpu.yield
    }) : () -> ()
    %barrier3A_25 = arith.constant 0 : index
    tpu.barrier barrier_id(%barrier3A_25)
    "tpu.region"() ({
      %run_scoped3A = tpu.sem_alloc : memref<!tpu.dma_semaphore, #tpu.memory_space<semaphore_mem>>
      %dma_start3A = arith.constant 0 : i32
      %dma_start3A_77 = tpu.memref_slice %arg13[%multiple_of3A, %dma_start3A] : memref<10000x128xf32, #tpu.memory_space<vmem_shared>> -> memref<632x128xf32, #tpu.memory_space<vmem_shared>>
      %dma_start3A_78 = arith.constant 0 : i32
      %dma_start3A_79 = tpu.memref_slice %arg5[%multiple_of3A, %dma_start3A_78] : memref<10000x128xf32, #tpu.memory_space<hbm>> -> memref<632x128xf32, #tpu.memory_space<hbm>>
      tpu.enqueue_dma source(%dma_start3A_79 : memref<632x128xf32, #tpu.memory_space<hbm>>) target(%dma_start3A_77 : memref<632x128xf32, #tpu.memory_space<vmem_shared>>) target_semaphore(%run_scoped3A : memref<!tpu.dma_semaphore, #tpu.memory_space<semaphore_mem>>)
      %dma_wait3A = arith.constant 0 : i32
      %dma_wait3A_80 = tpu.memref_slice %arg13[%multiple_of3A, %dma_wait3A] : memref<10000x128xf32, #tpu.memory_space<vmem_shared>> -> memref<632x128xf32, #tpu.memory_space<vmem_shared>>
      %dma_wait3A_81 = arith.constant 0 : i32
      %dma_wait3A_82 = tpu.memref_slice %arg5[%multiple_of3A, %dma_wait3A_81] : memref<10000x128xf32, #tpu.memory_space<hbm>> -> memref<632x128xf32, #tpu.memory_space<hbm>>
      tpu.wait_dma2 semaphore(%run_scoped3A : memref<!tpu.dma_semaphore, #tpu.memory_space<semaphore_mem>>) src(%dma_wait3A_82 : memref<632x128xf32, #tpu.memory_space<hbm>>) dst(%dma_wait3A_80 : memref<632x128xf32, #tpu.memory_space<vmem_shared>>)
      tpu.yield
    }) : () -> ()
    %barrier3A_26 = arith.constant 0 : index
    tpu.barrier barrier_id(%barrier3A_26)
    %mul3A_27 = arith.constant 78 : i32
    %mul3A_28 = arith.muli %arg1, %mul3A_27 : i32
    %min3A_29 = arith.constant 2 : i32
    %min3A_30 = arith.minsi %arg1, %min3A_29 : i32
    %add3A_31 = arith.addi %mul3A_28, %min3A_30 : i32
    %lt3A_32 = arith.constant 2 : i32
    %lt3A_33 = arith.cmpi slt, %arg1, %lt3A_32 : i32
    %jit3A_34 = arith.constant 1 : i32
    %jit3A_35 = arith.constant 0 : i32
    %select_n3A_36 = arith.select %lt3A_33, %jit3A_34, %jit3A_35 : i32
    %add3A_37 = arith.constant 78 : i32
    %add3A_38 = arith.addi %add3A_37, %select_n3A_36 : i32
    %mul3A_39 = arith.constant 2 : i32
    %mul3A_40 = arith.muli %arg0, %mul3A_39 : i32
    %add3A_41 = arith.constant 0 : i32
    %add3A_42 = arith.addi %mul3A_40, %add3A_41 : i32
    %while3A_43 = arith.constant 0 : i32
    %while3A_44 = arith.constant 0 : i32
    %while3A_45 = arith.subi %add3A_38, %while3A_44 : i32
    %while3A_46 = arith.addi %while3A_44, %while3A_45 : i32
    %while3A_47 = arith.constant 1 : i32
    %while3A_48 = arith.divsi %while3A_45, %while3A_47 : i32
    %while3A_49 = arith.muli %while3A_48, %while3A_47 : i32
    %while3A_50 = arith.addi %while3A_44, %while3A_49 : i32
    %while3A_51 = arith.constant 1 : i32
    scf.for %while3A_77 = %while3A_44 to %while3A_50 step %while3A_51  : i32 {
      %add3A_78 = arith.addi %add3A_31, %while3A_77 : i32
      %mul3A_79 = arith.constant 160000 : i32
      %mul3A_80 = arith.muli %add3A_42, %mul3A_79 : i32
      %mul3A_81 = arith.constant 128 : i32
      %mul3A_82 = arith.muli %add3A_78, %mul3A_81 : i32
      %add3A_83 = arith.addi %mul3A_80, %mul3A_82 : i32
      "tpu.region"() ({
        %run_scoped3A = tpu.sem_alloc : memref<!tpu.dma_semaphore, #tpu.memory_space<semaphore_mem>>
        %dma_start3A_90 = tpu.memref_slice %arg2[%add3A_83] : memref<640000xi32, #tpu.memory_space<hbm>> -> memref<128xi32, #tpu.memory_space<hbm>>
        %dma_start3A_91 = tpu.memref_slice %arg2[%add3A_83] : memref<640000xi32, #tpu.memory_space<hbm>> -> memref<128xi32, #tpu.memory_space<hbm>>
        tpu.enqueue_dma source(%dma_start3A_91 : memref<128xi32, #tpu.memory_space<hbm>>) target(%arg9 : memref<128xi32, #tpu.memory_space<vmem>>) target_semaphore(%run_scoped3A : memref<!tpu.dma_semaphore, #tpu.memory_space<semaphore_mem>>)
        %dma_wait3A_92 = tpu.memref_slice %arg2[%add3A_83] : memref<640000xi32, #tpu.memory_space<hbm>> -> memref<128xi32, #tpu.memory_space<hbm>>
        %dma_wait3A_93 = tpu.memref_slice %arg2[%add3A_83] : memref<640000xi32, #tpu.memory_space<hbm>> -> memref<128xi32, #tpu.memory_space<hbm>>
        tpu.wait_dma2 semaphore(%run_scoped3A : memref<!tpu.dma_semaphore, #tpu.memory_space<semaphore_mem>>) src(%dma_wait3A_93 : memref<128xi32, #tpu.memory_space<hbm>>) dst(%arg9 : memref<128xi32, #tpu.memory_space<vmem>>)
        tpu.yield
      }) : () -> ()
      %mul3A_84 = arith.constant 128 : i32
      %mul3A_85 = arith.muli %add3A_78, %mul3A_84 : i32
      "tpu.region"() ({
        %run_scoped3A = tpu.sem_alloc : memref<!tpu.dma_semaphore, #tpu.memory_space<semaphore_mem>>
        %dma_start3A_90 = tpu.memref_slice %arg3[%mul3A_85] : memref<160000xi32, #tpu.memory_space<hbm>> -> memref<128xi32, #tpu.memory_space<hbm>>
        %dma_start3A_91 = tpu.memref_slice %arg3[%mul3A_85] : memref<160000xi32, #tpu.memory_space<hbm>> -> memref<128xi32, #tpu.memory_space<hbm>>
        tpu.enqueue_dma source(%dma_start3A_91 : memref<128xi32, #tpu.memory_space<hbm>>) target(%arg10 : memref<128xi32, #tpu.memory_space<vmem>>) target_semaphore(%run_scoped3A : memref<!tpu.dma_semaphore, #tpu.memory_space<semaphore_mem>>)
        %dma_wait3A_92 = tpu.memref_slice %arg3[%mul3A_85] : memref<160000xi32, #tpu.memory_space<hbm>> -> memref<128xi32, #tpu.memory_space<hbm>>
        %dma_wait3A_93 = tpu.memref_slice %arg3[%mul3A_85] : memref<160000xi32, #tpu.memory_space<hbm>> -> memref<128xi32, #tpu.memory_space<hbm>>
        tpu.wait_dma2 semaphore(%run_scoped3A : memref<!tpu.dma_semaphore, #tpu.memory_space<semaphore_mem>>) src(%dma_wait3A_93 : memref<128xi32, #tpu.memory_space<hbm>>) dst(%arg10 : memref<128xi32, #tpu.memory_space<vmem>>)
        tpu.yield
      }) : () -> ()
      %dma_start3A = arith.constant 0 : i32
      %dma_start3A_86 = arith.constant 0 : i32
      %dma_start3A_87 = tpu.memref_slice %arg4[%dma_start3A, %dma_start3A_86] : memref<40000x128xf32, #tpu.memory_space<hbm>> -> memref<40000x128xf32, #tpu.memory_space<hbm>>
      tpu.enqueue_indirect_dma source(%dma_start3A_87 : memref<40000x128xf32, #tpu.memory_space<hbm>>) target(%arg11 : memref<128x128xf32, #tpu.memory_space<vmem>>) offsets(%arg9 : memref<128xi32, #tpu.memory_space<vmem>>) semaphore(%arg14 : memref<!tpu.dma_semaphore, #tpu.memory_space<semaphore_mem>>)
      %dma_wait3A = arith.constant 0 : i32
      %dma_wait3A_88 = arith.constant 0 : i32
      %dma_wait3A_89 = tpu.memref_slice %arg4[%dma_wait3A, %dma_wait3A_88] : memref<40000x128xf32, #tpu.memory_space<hbm>> -> memref<40000x128xf32, #tpu.memory_space<hbm>>
      tpu.wait_indirect_dma semaphore(%arg14 : memref<!tpu.dma_semaphore, #tpu.memory_space<semaphore_mem>>) src(%dma_wait3A_89 : memref<40000x128xf32, #tpu.memory_space<hbm>>) dst(%arg11 : memref<128x128xf32, #tpu.memory_space<vmem>>)
      "tpu.region"() ({
        %run_scoped3A = tpu.sem_alloc : memref<!tpu.dma_semaphore, #tpu.memory_space<semaphore_mem>>
        %dma_start3A_90 = arith.constant 0 : i32
        %dma_start3A_91 = arith.constant 0 : i32
        %dma_start3A_92 = tpu.memref_slice %arg13[%dma_start3A_90, %dma_start3A_91] : memref<10000x128xf32, #tpu.memory_space<vmem_shared>> -> memref<10000x128xf32, #tpu.memory_space<vmem_shared>>
        tpu.enqueue_indirect_dma source(%arg11 : memref<128x128xf32, #tpu.memory_space<vmem>>) target(%dma_start3A_92 : memref<10000x128xf32, #tpu.memory_space<vmem_shared>>) offsets(%arg10 : memref<128xi32, #tpu.memory_space<vmem>>) semaphore(%run_scoped3A : memref<!tpu.dma_semaphore, #tpu.memory_space<semaphore_mem>>) {add = true}
        %dma_wait3A_93 = arith.constant 0 : i32
        %dma_wait3A_94 = arith.constant 0 : i32
        %dma_wait3A_95 = tpu.memref_slice %arg13[%dma_wait3A_93, %dma_wait3A_94] : memref<10000x128xf32, #tpu.memory_space<vmem_shared>> -> memref<10000x128xf32, #tpu.memory_space<vmem_shared>>
        tpu.wait_indirect_dma semaphore(%run_scoped3A : memref<!tpu.dma_semaphore, #tpu.memory_space<semaphore_mem>>) src(%arg11 : memref<128x128xf32, #tpu.memory_space<vmem>>) dst(%dma_wait3A_95 : memref<10000x128xf32, #tpu.memory_space<vmem_shared>>)
        tpu.yield
      }) : () -> ()
    }
    %while3A_52 = arith.constant 1 : i32
    scf.for %while3A_77 = %while3A_50 to %while3A_46 step %while3A_52  : i32 {
      %add3A_78 = arith.addi %add3A_31, %while3A_77 : i32
      %mul3A_79 = arith.constant 160000 : i32
      %mul3A_80 = arith.muli %add3A_42, %mul3A_79 : i32
      %mul3A_81 = arith.constant 128 : i32
      %mul3A_82 = arith.muli %add3A_78, %mul3A_81 : i32
      %add3A_83 = arith.addi %mul3A_80, %mul3A_82 : i32
      "tpu.region"() ({
        %run_scoped3A = tpu.sem_alloc : memref<!tpu.dma_semaphore, #tpu.memory_space<semaphore_mem>>
        %dma_start3A_90 = tpu.memref_slice %arg2[%add3A_83] : memref<640000xi32, #tpu.memory_space<hbm>> -> memref<128xi32, #tpu.memory_space<hbm>>
        %dma_start3A_91 = tpu.memref_slice %arg2[%add3A_83] : memref<640000xi32, #tpu.memory_space<hbm>> -> memref<128xi32, #tpu.memory_space<hbm>>
        tpu.enqueue_dma source(%dma_start3A_91 : memref<128xi32, #tpu.memory_space<hbm>>) target(%arg9 : memref<128xi32, #tpu.memory_space<vmem>>) target_semaphore(%run_scoped3A : memref<!tpu.dma_semaphore, #tpu.memory_space<semaphore_mem>>)
        %dma_wait3A_92 = tpu.memref_slice %arg2[%add3A_83] : memref<640000xi32, #tpu.memory_space<hbm>> -> memref<128xi32, #tpu.memory_space<hbm>>
        %dma_wait3A_93 = tpu.memref_slice %arg2[%add3A_83] : memref<640000xi32, #tpu.memory_space<hbm>> -> memref<128xi32, #tpu.memory_space<hbm>>
        tpu.wait_dma2 semaphore(%run_scoped3A : memref<!tpu.dma_semaphore, #tpu.memory_space<semaphore_mem>>) src(%dma_wait3A_93 : memref<128xi32, #tpu.memory_space<hbm>>) dst(%arg9 : memref<128xi32, #tpu.memory_space<vmem>>)
        tpu.yield
      }) : () -> ()
      %mul3A_84 = arith.constant 128 : i32
      %mul3A_85 = arith.muli %add3A_78, %mul3A_84 : i32
      "tpu.region"() ({
        %run_scoped3A = tpu.sem_alloc : memref<!tpu.dma_semaphore, #tpu.memory_space<semaphore_mem>>
        %dma_start3A_90 = tpu.memref_slice %arg3[%mul3A_85] : memref<160000xi32, #tpu.memory_space<hbm>> -> memref<128xi32, #tpu.memory_space<hbm>>
        %dma_start3A_91 = tpu.memref_slice %arg3[%mul3A_85] : memref<160000xi32, #tpu.memory_space<hbm>> -> memref<128xi32, #tpu.memory_space<hbm>>
        tpu.enqueue_dma source(%dma_start3A_91 : memref<128xi32, #tpu.memory_space<hbm>>) target(%arg10 : memref<128xi32, #tpu.memory_space<vmem>>) target_semaphore(%run_scoped3A : memref<!tpu.dma_semaphore, #tpu.memory_space<semaphore_mem>>)
        %dma_wait3A_92 = tpu.memref_slice %arg3[%mul3A_85] : memref<160000xi32, #tpu.memory_space<hbm>> -> memref<128xi32, #tpu.memory_space<hbm>>
        %dma_wait3A_93 = tpu.memref_slice %arg3[%mul3A_85] : memref<160000xi32, #tpu.memory_space<hbm>> -> memref<128xi32, #tpu.memory_space<hbm>>
        tpu.wait_dma2 semaphore(%run_scoped3A : memref<!tpu.dma_semaphore, #tpu.memory_space<semaphore_mem>>) src(%dma_wait3A_93 : memref<128xi32, #tpu.memory_space<hbm>>) dst(%arg10 : memref<128xi32, #tpu.memory_space<vmem>>)
        tpu.yield
      }) : () -> ()
      %dma_start3A = arith.constant 0 : i32
      %dma_start3A_86 = arith.constant 0 : i32
      %dma_start3A_87 = tpu.memref_slice %arg4[%dma_start3A, %dma_start3A_86] : memref<40000x128xf32, #tpu.memory_space<hbm>> -> memref<40000x128xf32, #tpu.memory_space<hbm>>
      tpu.enqueue_indirect_dma source(%dma_start3A_87 : memref<40000x128xf32, #tpu.memory_space<hbm>>) target(%arg11 : memref<128x128xf32, #tpu.memory_space<vmem>>) offsets(%arg9 : memref<128xi32, #tpu.memory_space<vmem>>) semaphore(%arg14 : memref<!tpu.dma_semaphore, #tpu.memory_space<semaphore_mem>>)
      %dma_wait3A = arith.constant 0 : i32
      %dma_wait3A_88 = arith.constant 0 : i32
      %dma_wait3A_89 = tpu.memref_slice %arg4[%dma_wait3A, %dma_wait3A_88] : memref<40000x128xf32, #tpu.memory_space<hbm>> -> memref<40000x128xf32, #tpu.memory_space<hbm>>
      tpu.wait_indirect_dma semaphore(%arg14 : memref<!tpu.dma_semaphore, #tpu.memory_space<semaphore_mem>>) src(%dma_wait3A_89 : memref<40000x128xf32, #tpu.memory_space<hbm>>) dst(%arg11 : memref<128x128xf32, #tpu.memory_space<vmem>>)
      "tpu.region"() ({
        %run_scoped3A = tpu.sem_alloc : memref<!tpu.dma_semaphore, #tpu.memory_space<semaphore_mem>>
        %dma_start3A_90 = arith.constant 0 : i32
        %dma_start3A_91 = arith.constant 0 : i32
        %dma_start3A_92 = tpu.memref_slice %arg13[%dma_start3A_90, %dma_start3A_91] : memref<10000x128xf32, #tpu.memory_space<vmem_shared>> -> memref<10000x128xf32, #tpu.memory_space<vmem_shared>>
        tpu.enqueue_indirect_dma source(%arg11 : memref<128x128xf32, #tpu.memory_space<vmem>>) target(%dma_start3A_92 : memref<10000x128xf32, #tpu.memory_space<vmem_shared>>) offsets(%arg10 : memref<128xi32, #tpu.memory_space<vmem>>) semaphore(%run_scoped3A : memref<!tpu.dma_semaphore, #tpu.memory_space<semaphore_mem>>) {add = true}
        %dma_wait3A_93 = arith.constant 0 : i32
        %dma_wait3A_94 = arith.constant 0 : i32
        %dma_wait3A_95 = tpu.memref_slice %arg13[%dma_wait3A_93, %dma_wait3A_94] : memref<10000x128xf32, #tpu.memory_space<vmem_shared>> -> memref<10000x128xf32, #tpu.memory_space<vmem_shared>>
        tpu.wait_indirect_dma semaphore(%run_scoped3A : memref<!tpu.dma_semaphore, #tpu.memory_space<semaphore_mem>>) src(%arg11 : memref<128x128xf32, #tpu.memory_space<vmem>>) dst(%dma_wait3A_95 : memref<10000x128xf32, #tpu.memory_space<vmem_shared>>)
        tpu.yield
      }) : () -> ()
    }
    %barrier3A_53 = arith.constant 0 : index
    tpu.barrier barrier_id(%barrier3A_53)
    %mul3A_54 = arith.constant 10000 : i32
    %mul3A_55 = arith.muli %add3A_42, %mul3A_54 : i32
    %add3A_56 = arith.addi %mul3A_55, %multiple_of3A : i32
    "tpu.region"() ({
      %run_scoped3A = tpu.sem_alloc : memref<!tpu.dma_semaphore, #tpu.memory_space<semaphore_mem>>
      %dma_start3A = arith.constant 0 : i32
      %dma_start3A_77 = tpu.memref_slice %arg7[%add3A_56, %dma_start3A] : memref<40000x128xf32, #tpu.memory_space<hbm>> -> memref<632x128xf32, #tpu.memory_space<hbm>>
      %dma_start3A_78 = arith.constant 0 : i32
      %dma_start3A_79 = tpu.memref_slice %arg13[%multiple_of3A, %dma_start3A_78] : memref<10000x128xf32, #tpu.memory_space<vmem_shared>> -> memref<632x128xf32, #tpu.memory_space<vmem_shared>>
      tpu.enqueue_dma source(%dma_start3A_79 : memref<632x128xf32, #tpu.memory_space<vmem_shared>>) target(%dma_start3A_77 : memref<632x128xf32, #tpu.memory_space<hbm>>) target_semaphore(%run_scoped3A : memref<!tpu.dma_semaphore, #tpu.memory_space<semaphore_mem>>)
      %dma_wait3A = arith.constant 0 : i32
      %dma_wait3A_80 = tpu.memref_slice %arg7[%add3A_56, %dma_wait3A] : memref<40000x128xf32, #tpu.memory_space<hbm>> -> memref<632x128xf32, #tpu.memory_space<hbm>>
      %dma_wait3A_81 = arith.constant 0 : i32
      %dma_wait3A_82 = tpu.memref_slice %arg13[%multiple_of3A, %dma_wait3A_81] : memref<10000x128xf32, #tpu.memory_space<vmem_shared>> -> memref<632x128xf32, #tpu.memory_space<vmem_shared>>
      tpu.wait_dma2 semaphore(%run_scoped3A : memref<!tpu.dma_semaphore, #tpu.memory_space<semaphore_mem>>) src(%dma_wait3A_82 : memref<632x128xf32, #tpu.memory_space<vmem_shared>>) dst(%dma_wait3A_80 : memref<632x128xf32, #tpu.memory_space<hbm>>)
      tpu.yield
    }) : () -> ()
    %barrier3A_57 = arith.constant 0 : index
    tpu.barrier barrier_id(%barrier3A_57)
    "tpu.region"() ({
      %run_scoped3A = tpu.sem_alloc : memref<!tpu.dma_semaphore, #tpu.memory_space<semaphore_mem>>
      %dma_start3A = arith.constant 0 : i32
      %dma_start3A_77 = tpu.memref_slice %arg13[%multiple_of3A, %dma_start3A] : memref<10000x128xf32, #tpu.memory_space<vmem_shared>> -> memref<632x128xf32, #tpu.memory_space<vmem_shared>>
      %dma_start3A_78 = arith.constant 0 : i32
      %dma_start3A_79 = tpu.memref_slice %arg5[%multiple_of3A, %dma_start3A_78] : memref<10000x128xf32, #tpu.memory_space<hbm>> -> memref<632x128xf32, #tpu.memory_space<hbm>>
      tpu.enqueue_dma source(%dma_start3A_79 : memref<632x128xf32, #tpu.memory_space<hbm>>) target(%dma_start3A_77 : memref<632x128xf32, #tpu.memory_space<vmem_shared>>) target_semaphore(%run_scoped3A : memref<!tpu.dma_semaphore, #tpu.memory_space<semaphore_mem>>)
      %dma_wait3A = arith.constant 0 : i32
      %dma_wait3A_80 = tpu.memref_slice %arg13[%multiple_of3A, %dma_wait3A] : memref<10000x128xf32, #tpu.memory_space<vmem_shared>> -> memref<632x128xf32, #tpu.memory_space<vmem_shared>>
      %dma_wait3A_81 = arith.constant 0 : i32
      %dma_wait3A_82 = tpu.memref_slice %arg5[%multiple_of3A, %dma_wait3A_81] : memref<10000x128xf32, #tpu.memory_space<hbm>> -> memref<632x128xf32, #tpu.memory_space<hbm>>
      tpu.wait_dma2 semaphore(%run_scoped3A : memref<!tpu.dma_semaphore, #tpu.memory_space<semaphore_mem>>) src(%dma_wait3A_82 : memref<632x128xf32, #tpu.memory_space<hbm>>) dst(%dma_wait3A_80 : memref<632x128xf32, #tpu.memory_space<vmem_shared>>)
      tpu.yield
    }) : () -> ()
    %barrier3A_58 = arith.constant 0 : index
    tpu.barrier barrier_id(%barrier3A_58)
    %mul3A_59 = arith.constant 2 : i32
    %mul3A_60 = arith.muli %arg0, %mul3A_59 : i32
    %add3A_61 = arith.constant 1 : i32
    %add3A_62 = arith.addi %mul3A_60, %add3A_61 : i32
    %while3A_63 = arith.constant 0 : i32
    %while3A_64 = arith.constant 0 : i32
    %while3A_65 = arith.subi %add3A_38, %while3A_64 : i32
    %while3A_66 = arith.addi %while3A_64, %while3A_65 : i32
    %while3A_67 = arith.constant 1 : i32
    %while3A_68 = arith.divsi %while3A_65, %while3A_67 : i32
    %while3A_69 = arith.muli %while3A_68, %while3A_67 : i32
    %while3A_70 = arith.addi %while3A_64, %while3A_69 : i32
    %while3A_71 = arith.constant 1 : i32
    scf.for %while3A_77 = %while3A_64 to %while3A_70 step %while3A_71  : i32 {
      %add3A_78 = arith.addi %add3A_31, %while3A_77 : i32
      %mul3A_79 = arith.constant 160000 : i32
      %mul3A_80 = arith.muli %add3A_62, %mul3A_79 : i32
      %mul3A_81 = arith.constant 128 : i32
      %mul3A_82 = arith.muli %add3A_78, %mul3A_81 : i32
      %add3A_83 = arith.addi %mul3A_80, %mul3A_82 : i32
      "tpu.region"() ({
        %run_scoped3A = tpu.sem_alloc : memref<!tpu.dma_semaphore, #tpu.memory_space<semaphore_mem>>
        %dma_start3A_90 = tpu.memref_slice %arg2[%add3A_83] : memref<640000xi32, #tpu.memory_space<hbm>> -> memref<128xi32, #tpu.memory_space<hbm>>
        %dma_start3A_91 = tpu.memref_slice %arg2[%add3A_83] : memref<640000xi32, #tpu.memory_space<hbm>> -> memref<128xi32, #tpu.memory_space<hbm>>
        tpu.enqueue_dma source(%dma_start3A_91 : memref<128xi32, #tpu.memory_space<hbm>>) target(%arg9 : memref<128xi32, #tpu.memory_space<vmem>>) target_semaphore(%run_scoped3A : memref<!tpu.dma_semaphore, #tpu.memory_space<semaphore_mem>>)
        %dma_wait3A_92 = tpu.memref_slice %arg2[%add3A_83] : memref<640000xi32, #tpu.memory_space<hbm>> -> memref<128xi32, #tpu.memory_space<hbm>>
        %dma_wait3A_93 = tpu.memref_slice %arg2[%add3A_83] : memref<640000xi32, #tpu.memory_space<hbm>> -> memref<128xi32, #tpu.memory_space<hbm>>
        tpu.wait_dma2 semaphore(%run_scoped3A : memref<!tpu.dma_semaphore, #tpu.memory_space<semaphore_mem>>) src(%dma_wait3A_93 : memref<128xi32, #tpu.memory_space<hbm>>) dst(%arg9 : memref<128xi32, #tpu.memory_space<vmem>>)
        tpu.yield
      }) : () -> ()
      %mul3A_84 = arith.constant 128 : i32
      %mul3A_85 = arith.muli %add3A_78, %mul3A_84 : i32
      "tpu.region"() ({
        %run_scoped3A = tpu.sem_alloc : memref<!tpu.dma_semaphore, #tpu.memory_space<semaphore_mem>>
        %dma_start3A_90 = tpu.memref_slice %arg3[%mul3A_85] : memref<160000xi32, #tpu.memory_space<hbm>> -> memref<128xi32, #tpu.memory_space<hbm>>
        %dma_start3A_91 = tpu.memref_slice %arg3[%mul3A_85] : memref<160000xi32, #tpu.memory_space<hbm>> -> memref<128xi32, #tpu.memory_space<hbm>>
        tpu.enqueue_dma source(%dma_start3A_91 : memref<128xi32, #tpu.memory_space<hbm>>) target(%arg10 : memref<128xi32, #tpu.memory_space<vmem>>) target_semaphore(%run_scoped3A : memref<!tpu.dma_semaphore, #tpu.memory_space<semaphore_mem>>)
        %dma_wait3A_92 = tpu.memref_slice %arg3[%mul3A_85] : memref<160000xi32, #tpu.memory_space<hbm>> -> memref<128xi32, #tpu.memory_space<hbm>>
        %dma_wait3A_93 = tpu.memref_slice %arg3[%mul3A_85] : memref<160000xi32, #tpu.memory_space<hbm>> -> memref<128xi32, #tpu.memory_space<hbm>>
        tpu.wait_dma2 semaphore(%run_scoped3A : memref<!tpu.dma_semaphore, #tpu.memory_space<semaphore_mem>>) src(%dma_wait3A_93 : memref<128xi32, #tpu.memory_space<hbm>>) dst(%arg10 : memref<128xi32, #tpu.memory_space<vmem>>)
        tpu.yield
      }) : () -> ()
      %dma_start3A = arith.constant 0 : i32
      %dma_start3A_86 = arith.constant 0 : i32
      %dma_start3A_87 = tpu.memref_slice %arg4[%dma_start3A, %dma_start3A_86] : memref<40000x128xf32, #tpu.memory_space<hbm>> -> memref<40000x128xf32, #tpu.memory_space<hbm>>
      tpu.enqueue_indirect_dma source(%dma_start3A_87 : memref<40000x128xf32, #tpu.memory_space<hbm>>) target(%arg11 : memref<128x128xf32, #tpu.memory_space<vmem>>) offsets(%arg9 : memref<128xi32, #tpu.memory_space<vmem>>) semaphore(%arg14 : memref<!tpu.dma_semaphore, #tpu.memory_space<semaphore_mem>>)
      %dma_wait3A = arith.constant 0 : i32
      %dma_wait3A_88 = arith.constant 0 : i32
      %dma_wait3A_89 = tpu.memref_slice %arg4[%dma_wait3A, %dma_wait3A_88] : memref<40000x128xf32, #tpu.memory_space<hbm>> -> memref<40000x128xf32, #tpu.memory_space<hbm>>
      tpu.wait_indirect_dma semaphore(%arg14 : memref<!tpu.dma_semaphore, #tpu.memory_space<semaphore_mem>>) src(%dma_wait3A_89 : memref<40000x128xf32, #tpu.memory_space<hbm>>) dst(%arg11 : memref<128x128xf32, #tpu.memory_space<vmem>>)
      "tpu.region"() ({
        %run_scoped3A = tpu.sem_alloc : memref<!tpu.dma_semaphore, #tpu.memory_space<semaphore_mem>>
        %dma_start3A_90 = arith.constant 0 : i32
        %dma_start3A_91 = arith.constant 0 : i32
        %dma_start3A_92 = tpu.memref_slice %arg13[%dma_start3A_90, %dma_start3A_91] : memref<10000x128xf32, #tpu.memory_space<vmem_shared>> -> memref<10000x128xf32, #tpu.memory_space<vmem_shared>>
        tpu.enqueue_indirect_dma source(%arg11 : memref<128x128xf32, #tpu.memory_space<vmem>>) target(%dma_start3A_92 : memref<10000x128xf32, #tpu.memory_space<vmem_shared>>) offsets(%arg10 : memref<128xi32, #tpu.memory_space<vmem>>) semaphore(%run_scoped3A : memref<!tpu.dma_semaphore, #tpu.memory_space<semaphore_mem>>) {add = true}
        %dma_wait3A_93 = arith.constant 0 : i32
        %dma_wait3A_94 = arith.constant 0 : i32
        %dma_wait3A_95 = tpu.memref_slice %arg13[%dma_wait3A_93, %dma_wait3A_94] : memref<10000x128xf32, #tpu.memory_space<vmem_shared>> -> memref<10000x128xf32, #tpu.memory_space<vmem_shared>>
        tpu.wait_indirect_dma semaphore(%run_scoped3A : memref<!tpu.dma_semaphore, #tpu.memory_space<semaphore_mem>>) src(%arg11 : memref<128x128xf32, #tpu.memory_space<vmem>>) dst(%dma_wait3A_95 : memref<10000x128xf32, #tpu.memory_space<vmem_shared>>)
        tpu.yield
      }) : () -> ()
    }
    %while3A_72 = arith.constant 1 : i32
    scf.for %while3A_77 = %while3A_70 to %while3A_66 step %while3A_72  : i32 {
      %add3A_78 = arith.addi %add3A_31, %while3A_77 : i32
      %mul3A_79 = arith.constant 160000 : i32
      %mul3A_80 = arith.muli %add3A_62, %mul3A_79 : i32
      %mul3A_81 = arith.constant 128 : i32
      %mul3A_82 = arith.muli %add3A_78, %mul3A_81 : i32
      %add3A_83 = arith.addi %mul3A_80, %mul3A_82 : i32
      "tpu.region"() ({
        %run_scoped3A = tpu.sem_alloc : memref<!tpu.dma_semaphore, #tpu.memory_space<semaphore_mem>>
        %dma_start3A_90 = tpu.memref_slice %arg2[%add3A_83] : memref<640000xi32, #tpu.memory_space<hbm>> -> memref<128xi32, #tpu.memory_space<hbm>>
        %dma_start3A_91 = tpu.memref_slice %arg2[%add3A_83] : memref<640000xi32, #tpu.memory_space<hbm>> -> memref<128xi32, #tpu.memory_space<hbm>>
        tpu.enqueue_dma source(%dma_start3A_91 : memref<128xi32, #tpu.memory_space<hbm>>) target(%arg9 : memref<128xi32, #tpu.memory_space<vmem>>) target_semaphore(%run_scoped3A : memref<!tpu.dma_semaphore, #tpu.memory_space<semaphore_mem>>)
        %dma_wait3A_92 = tpu.memref_slice %arg2[%add3A_83] : memref<640000xi32, #tpu.memory_space<hbm>> -> memref<128xi32, #tpu.memory_space<hbm>>
        %dma_wait3A_93 = tpu.memref_slice %arg2[%add3A_83] : memref<640000xi32, #tpu.memory_space<hbm>> -> memref<128xi32, #tpu.memory_space<hbm>>
        tpu.wait_dma2 semaphore(%run_scoped3A : memref<!tpu.dma_semaphore, #tpu.memory_space<semaphore_mem>>) src(%dma_wait3A_93 : memref<128xi32, #tpu.memory_space<hbm>>) dst(%arg9 : memref<128xi32, #tpu.memory_space<vmem>>)
        tpu.yield
      }) : () -> ()
      %mul3A_84 = arith.constant 128 : i32
      %mul3A_85 = arith.muli %add3A_78, %mul3A_84 : i32
      "tpu.region"() ({
        %run_scoped3A = tpu.sem_alloc : memref<!tpu.dma_semaphore, #tpu.memory_space<semaphore_mem>>
        %dma_start3A_90 = tpu.memref_slice %arg3[%mul3A_85] : memref<160000xi32, #tpu.memory_space<hbm>> -> memref<128xi32, #tpu.memory_space<hbm>>
        %dma_start3A_91 = tpu.memref_slice %arg3[%mul3A_85] : memref<160000xi32, #tpu.memory_space<hbm>> -> memref<128xi32, #tpu.memory_space<hbm>>
        tpu.enqueue_dma source(%dma_start3A_91 : memref<128xi32, #tpu.memory_space<hbm>>) target(%arg10 : memref<128xi32, #tpu.memory_space<vmem>>) target_semaphore(%run_scoped3A : memref<!tpu.dma_semaphore, #tpu.memory_space<semaphore_mem>>)
        %dma_wait3A_92 = tpu.memref_slice %arg3[%mul3A_85] : memref<160000xi32, #tpu.memory_space<hbm>> -> memref<128xi32, #tpu.memory_space<hbm>>
        %dma_wait3A_93 = tpu.memref_slice %arg3[%mul3A_85] : memref<160000xi32, #tpu.memory_space<hbm>> -> memref<128xi32, #tpu.memory_space<hbm>>
        tpu.wait_dma2 semaphore(%run_scoped3A : memref<!tpu.dma_semaphore, #tpu.memory_space<semaphore_mem>>) src(%dma_wait3A_93 : memref<128xi32, #tpu.memory_space<hbm>>) dst(%arg10 : memref<128xi32, #tpu.memory_space<vmem>>)
        tpu.yield
      }) : () -> ()
      %dma_start3A = arith.constant 0 : i32
      %dma_start3A_86 = arith.constant 0 : i32
      %dma_start3A_87 = tpu.memref_slice %arg4[%dma_start3A, %dma_start3A_86] : memref<40000x128xf32, #tpu.memory_space<hbm>> -> memref<40000x128xf32, #tpu.memory_space<hbm>>
      tpu.enqueue_indirect_dma source(%dma_start3A_87 : memref<40000x128xf32, #tpu.memory_space<hbm>>) target(%arg11 : memref<128x128xf32, #tpu.memory_space<vmem>>) offsets(%arg9 : memref<128xi32, #tpu.memory_space<vmem>>) semaphore(%arg14 : memref<!tpu.dma_semaphore, #tpu.memory_space<semaphore_mem>>)
      %dma_wait3A = arith.constant 0 : i32
      %dma_wait3A_88 = arith.constant 0 : i32
      %dma_wait3A_89 = tpu.memref_slice %arg4[%dma_wait3A, %dma_wait3A_88] : memref<40000x128xf32, #tpu.memory_space<hbm>> -> memref<40000x128xf32, #tpu.memory_space<hbm>>
      tpu.wait_indirect_dma semaphore(%arg14 : memref<!tpu.dma_semaphore, #tpu.memory_space<semaphore_mem>>) src(%dma_wait3A_89 : memref<40000x128xf32, #tpu.memory_space<hbm>>) dst(%arg11 : memref<128x128xf32, #tpu.memory_space<vmem>>)
      "tpu.region"() ({
        %run_scoped3A = tpu.sem_alloc : memref<!tpu.dma_semaphore, #tpu.memory_space<semaphore_mem>>
        %dma_start3A_90 = arith.constant 0 : i32
        %dma_start3A_91 = arith.constant 0 : i32
        %dma_start3A_92 = tpu.memref_slice %arg13[%dma_start3A_90, %dma_start3A_91] : memref<10000x128xf32, #tpu.memory_space<vmem_shared>> -> memref<10000x128xf32, #tpu.memory_space<vmem_shared>>
        tpu.enqueue_indirect_dma source(%arg11 : memref<128x128xf32, #tpu.memory_space<vmem>>) target(%dma_start3A_92 : memref<10000x128xf32, #tpu.memory_space<vmem_shared>>) offsets(%arg10 : memref<128xi32, #tpu.memory_space<vmem>>) semaphore(%run_scoped3A : memref<!tpu.dma_semaphore, #tpu.memory_space<semaphore_mem>>) {add = true}
        %dma_wait3A_93 = arith.constant 0 : i32
        %dma_wait3A_94 = arith.constant 0 : i32
        %dma_wait3A_95 = tpu.memref_slice %arg13[%dma_wait3A_93, %dma_wait3A_94] : memref<10000x128xf32, #tpu.memory_space<vmem_shared>> -> memref<10000x128xf32, #tpu.memory_space<vmem_shared>>
        tpu.wait_indirect_dma semaphore(%run_scoped3A : memref<!tpu.dma_semaphore, #tpu.memory_space<semaphore_mem>>) src(%arg11 : memref<128x128xf32, #tpu.memory_space<vmem>>) dst(%dma_wait3A_95 : memref<10000x128xf32, #tpu.memory_space<vmem_shared>>)
        tpu.yield
      }) : () -> ()
    }
    %barrier3A_73 = arith.constant 0 : index
    tpu.barrier barrier_id(%barrier3A_73)
    %mul3A_74 = arith.constant 10000 : i32
    %mul3A_75 = arith.muli %add3A_62, %mul3A_74 : i32
    %add3A_76 = arith.addi %mul3A_75, %multiple_of3A : i32
    "tpu.region"() ({
      %run_scoped3A = tpu.sem_alloc : memref<!tpu.dma_semaphore, #tpu.memory_space<semaphore_mem>>
      %dma_start3A = arith.constant 0 : i32
      %dma_start3A_77 = tpu.memref_slice %arg7[%add3A_76, %dma_start3A] : memref<40000x128xf32, #tpu.memory_space<hbm>> -> memref<632x128xf32, #tpu.memory_space<hbm>>
      %dma_start3A_78 = arith.constant 0 : i32
      %dma_start3A_79 = tpu.memref_slice %arg13[%multiple_of3A, %dma_start3A_78] : memref<10000x128xf32, #tpu.memory_space<vmem_shared>> -> memref<632x128xf32, #tpu.memory_space<vmem_shared>>
      tpu.enqueue_dma source(%dma_start3A_79 : memref<632x128xf32, #tpu.memory_space<vmem_shared>>) target(%dma_start3A_77 : memref<632x128xf32, #tpu.memory_space<hbm>>) target_semaphore(%run_scoped3A : memref<!tpu.dma_semaphore, #tpu.memory_space<semaphore_mem>>)
      %dma_wait3A = arith.constant 0 : i32
      %dma_wait3A_80 = tpu.memref_slice %arg7[%add3A_76, %dma_wait3A] : memref<40000x128xf32, #tpu.memory_space<hbm>> -> memref<632x128xf32, #tpu.memory_space<hbm>>
      %dma_wait3A_81 = arith.constant 0 : i32
      %dma_wait3A_82 = tpu.memref_slice %arg13[%multiple_of3A, %dma_wait3A_81] : memref<10000x128xf32, #tpu.memory_space<vmem_shared>> -> memref<632x128xf32, #tpu.memory_space<vmem_shared>>
      tpu.wait_dma2 semaphore(%run_scoped3A : memref<!tpu.dma_semaphore, #tpu.memory_space<semaphore_mem>>) src(%dma_wait3A_82 : memref<632x128xf32, #tpu.memory_space<vmem_shared>>) dst(%dma_wait3A_80 : memref<632x128xf32, #tpu.memory_space<hbm>>)
      tpu.yield
    }) : () -> ()
    return
  }
}

module attributes {stable_mosaic.version = 14 : i64} {
  func.func @_hdelta_body(%arg0: i32, %arg1: memref<1000x256xf32, #tpu.memory_space<vmem>>, %arg2: memref<1000x256xf32, #tpu.memory_space<vmem>>, %arg3: memref<2x1000x128xf32, #tpu.memory_space<vmem>>) attributes {dimension_semantics = [#tpu.dimension_semantics<arbitrary>], iteration_bounds = array<i64: 10>, scalar_prefetch = 0 : i64, scratch_operands = 0 : i64, tpu.core_type = #tpu.core_type<tc>, window_params = [{transform_indices = @transform_0, window_bounds = array<i64: 1000, 256>}, {transform_indices = @transform_1, window_bounds = array<i64: 1000, 256>}, {transform_indices = @transform_2, window_bounds = array<i64: 2, 1000, 128>}]} {
    %get3A = arith.constant 0 : index
    %get3A_0 = arith.constant 0 : index
    %get3A_1 = vector.load %arg1[%get3A, %get3A_0] : memref<1000x256xf32, #tpu.memory_space<vmem>>, vector<1000x256xf32>
    %get3A_2 = arith.constant 0 : index
    %get3A_3 = arith.constant 0 : index
    %get3A_4 = vector.load %arg2[%get3A_2, %get3A_3] : memref<1000x256xf32, #tpu.memory_space<vmem>>, vector<1000x256xf32>
    %sub3A = arith.subf %get3A_1, %get3A_4 : vector<1000x256xf32>
    %slice3A = vector.extract_strided_slice %sub3A {offsets = [0, 0], sizes = [1000, 128], strides = [1, 1]} : vector<1000x256xf32> to vector<1000x128xf32>
    %swap3A = arith.constant 0 : index
    %swap3A_5 = arith.constant 0 : index
    %swap3A_6 = arith.constant 0 : index
    %swap3A_7 = vector.load %arg3[%swap3A, %swap3A_5, %swap3A_6] : memref<2x1000x128xf32, #tpu.memory_space<vmem>>, vector<1x1000x128xf32>
    %swap3A_8 = vector.shape_cast %swap3A_7 : vector<1x1000x128xf32> to vector<1000x128xf32>
    %swap3A_9 = vector.shape_cast %slice3A : vector<1000x128xf32> to vector<1x1000x128xf32>
    tpu.vector_store %arg3[%swap3A, %swap3A_5, %swap3A_6], %swap3A_9 {strides = array<i32>} : memref<2x1000x128xf32, #tpu.memory_space<vmem>>, vector<1x1000x128xf32>,
    %slice3A_10 = vector.extract_strided_slice %sub3A {offsets = [0, 128], sizes = [1000, 128], strides = [1, 1]} : vector<1000x256xf32> to vector<1000x128xf32>
    %swap3A_11 = arith.constant 1 : index
    %swap3A_12 = arith.constant 0 : index
    %swap3A_13 = arith.constant 0 : index
    %swap3A_14 = vector.load %arg3[%swap3A_11, %swap3A_12, %swap3A_13] : memref<2x1000x128xf32, #tpu.memory_space<vmem>>, vector<1x1000x128xf32>
    %swap3A_15 = vector.shape_cast %swap3A_14 : vector<1x1000x128xf32> to vector<1000x128xf32>
    %swap3A_16 = vector.shape_cast %slice3A_10 : vector<1000x128xf32> to vector<1x1000x128xf32>
    tpu.vector_store %arg3[%swap3A_11, %swap3A_12, %swap3A_13], %swap3A_16 {strides = array<i32>} : memref<2x1000x128xf32, #tpu.memory_space<vmem>>, vector<1x1000x128xf32>,
    return
  }
  func.func @transform_0(%arg0: i32) -> (i32, i32) {
    %c0_i32 = arith.constant 0 : i32
    %c0_i32_0 = arith.constant 0 : i32
    return %arg0, %c0_i32 : i32, i32
  }
  func.func @transform_1(%arg0: i32) -> (i32, i32) {
    %c0_i32 = arith.constant 0 : i32
    %c0_i32_0 = arith.constant 0 : i32
    return %arg0, %c0_i32 : i32, i32
  }
  func.func @transform_2(%arg0: i32) -> (i32, i32, i32) {
    %c0_i32 = arith.constant 0 : i32
    %c0_i32_0 = arith.constant 0 : i32
    %c0_i32_1 = arith.constant 0 : i32
    return %c0_i32, %arg0, %c0_i32_0 : i32, i32, i32
  }
}

module attributes {stable_mosaic.version = 14 : i64} {
  func.func @_layer0_body(%arg0: i32, %arg1: memref<400x256xf32, #tpu.memory_space<vmem>>, %arg2: memref<2x400x128xf32, #tpu.memory_space<vmem>>, %arg3: memref<2x400x128xf32, #tpu.memory_space<vmem>>, %arg4: memref<400x256xf32, #tpu.memory_space<vmem>>, %arg5: memref<512x512xf32, #tpu.memory_space<vmem>>, %arg6: memref<1x512xf32, #tpu.memory_space<vmem>>, %arg7: memref<400x512xf32, #tpu.memory_space<vmem>>, %arg8: memref<400x512xf32, #tpu.memory_space<vmem>>, %arg9: memref<4x400x128xf32, #tpu.memory_space<vmem>>) attributes {dimension_semantics = [#tpu.dimension_semantics<arbitrary>], iteration_bounds = array<i64: 25>, scalar_prefetch = 0 : i64, scratch_operands = 0 : i64, tpu.core_type = #tpu.core_type<tc>, window_params = [{transform_indices = @transform_0, window_bounds = array<i64: 400, 256>}, {transform_indices = @transform_1, window_bounds = array<i64: 2, 400, 128>}, {transform_indices = @transform_2, window_bounds = array<i64: 2, 400, 128>}, {transform_indices = @transform_3, window_bounds = array<i64: 400, 256>}, {pipeline_mode = #tpu.pipeline_mode<synchronous>, transform_indices = @transform_4, window_bounds = array<i64: 512, 512>}, {pipeline_mode = #tpu.pipeline_mode<synchronous>, transform_indices = @transform_5, window_bounds = array<i64: 1, 512>}, {transform_indices = @transform_6, window_bounds = array<i64: 400, 512>}, {transform_indices = @transform_7, window_bounds = array<i64: 400, 512>}, {transform_indices = @transform_8, window_bounds = array<i64: 4, 400, 128>}]} {
    %get3A = arith.constant 0 : index
    %get3A_0 = arith.constant 0 : index
    %get3A_1 = arith.constant 0 : index
    %get3A_2 = vector.load %arg3[%get3A, %get3A_0, %get3A_1] : memref<2x400x128xf32, #tpu.memory_space<vmem>>, vector<1x400x128xf32>
    %get3A_3 = vector.shape_cast %get3A_2 : vector<1x400x128xf32> to vector<400x128xf32>
    %slice3A = vector.extract_strided_slice %get3A_3 {offsets = [0, 0], sizes = [400, 1], strides = [1, 1]} : vector<400x128xf32> to vector<400x1xf32>
    %get3A_4 = arith.constant 1 : index
    %get3A_5 = arith.constant 0 : index
    %get3A_6 = arith.constant 0 : index
    %get3A_7 = vector.load %arg3[%get3A_4, %get3A_5, %get3A_6] : memref<2x400x128xf32, #tpu.memory_space<vmem>>, vector<1x400x128xf32>
    %get3A_8 = vector.shape_cast %get3A_7 : vector<1x400x128xf32> to vector<400x128xf32>
    %slice3A_9 = vector.extract_strided_slice %get3A_8 {offsets = [0, 0], sizes = [400, 1], strides = [1, 1]} : vector<400x128xf32> to vector<400x1xf32>
    %add3A = arith.addf %slice3A, %slice3A_9 : vector<400x1xf32>
    %max3A = arith.constant 1.000000e+00 : f32
    %max3A_10 = vector.broadcast %max3A : f32 to vector<400x1xf32>
    %max3A_11 = arith.maximumf %add3A, %max3A_10 : vector<400x1xf32>
    %get3A_12 = arith.constant 0 : index
    %get3A_13 = arith.constant 0 : index
    %get3A_14 = vector.load %arg4[%get3A_12, %get3A_13] : memref<400x256xf32, #tpu.memory_space<vmem>>, vector<400x256xf32>
    %get3A_15 = arith.constant 0 : index
    %get3A_16 = arith.constant 0 : index
    %get3A_17 = arith.constant 0 : index
    %get3A_18 = vector.load %arg2[%get3A_15, %get3A_16, %get3A_17] : memref<2x400x128xf32, #tpu.memory_space<vmem>>, vector<1x400x128xf32>
    %get3A_19 = vector.shape_cast %get3A_18 : vector<1x400x128xf32> to vector<400x128xf32>
    %get3A_20 = arith.constant 1 : index
    %get3A_21 = arith.constant 0 : index
    %get3A_22 = arith.constant 0 : index
    %get3A_23 = vector.load %arg2[%get3A_20, %get3A_21, %get3A_22] : memref<2x400x128xf32, #tpu.memory_space<vmem>>, vector<1x400x128xf32>
    %get3A_24 = vector.shape_cast %get3A_23 : vector<1x400x128xf32> to vector<400x128xf32>
    %concatenate3A = tpu.concatenate %get3A_19, %get3A_24 in 1 : vector<400x128xf32>, vector<400x128xf32> -> vector<400x256xf32>
    %div3A = vector.broadcast %max3A_11 : vector<400x1xf32> to vector<400x256xf32>
    %div3A_25 = arith.divf %concatenate3A, %div3A : vector<400x256xf32>
    %add3A_26 = arith.addf %get3A_14, %div3A_25 : vector<400x256xf32>
    %get3A_27 = arith.constant 0 : index
    %get3A_28 = arith.constant 0 : index
    %get3A_29 = vector.load %arg5[%get3A_27, %get3A_28] : memref<512x512xf32, #tpu.memory_space<vmem>>, vector<512x512xf32>
    %get3A_30 = arith.constant 0 : index
    %get3A_31 = arith.constant 0 : index
    %get3A_32 = vector.load %arg1[%get3A_30, %get3A_31] : memref<400x256xf32, #tpu.memory_space<vmem>>, vector<400x256xf32>
    %slice3A_33 = vector.extract_strided_slice %get3A_29 {offsets = [0, 0], sizes = [512, 256], strides = [1, 1]} : vector<512x512xf32> to vector<512x256xf32>
    %dot_general3A = arith.constant dense<0.000000e+00> : vector<400x512xf32>
    %dot_general3A_34 = tpu.matmul %get3A_32, %slice3A_33, %dot_general3A {dimension_numbers = #tpu.dot_dimension_numbers<[1], [1], [0], [0], [0, 0, 1, 0], [], []>, transpose_lhs_hint = false} : vector<400x256xf32>, vector<512x256xf32>, vector<400x512xf32> -> vector<400x512xf32>
    %slice3A_35 = vector.extract_strided_slice %get3A_29 {offsets = [0, 256], sizes = [512, 256], strides = [1, 1]} : vector<512x512xf32> to vector<512x256xf32>
    %dot_general3A_36 = arith.constant dense<0.000000e+00> : vector<400x512xf32>
    %dot_general3A_37 = tpu.matmul %add3A_26, %slice3A_35, %dot_general3A_36 {dimension_numbers = #tpu.dot_dimension_numbers<[1], [1], [0], [0], [0, 0, 1, 0], [], []>, transpose_lhs_hint = false} : vector<400x256xf32>, vector<512x256xf32>, vector<400x512xf32> -> vector<400x512xf32>
    %add3A_38 = arith.addf %dot_general3A_34, %dot_general3A_37 : vector<400x512xf32>
    %get3A_39 = arith.constant 0 : index
    %get3A_40 = arith.constant 0 : index
    %get3A_41 = vector.load %arg6[%get3A_39, %get3A_40] : memref<1x512xf32, #tpu.memory_space<vmem>>, vector<1x512xf32>
    %add3A_42 = vector.broadcast %get3A_41 : vector<1x512xf32> to vector<400x512xf32>
    %add3A_43 = arith.addf %add3A_38, %add3A_42 : vector<400x512xf32>
    %max3A_44 = arith.constant 0.000000e+00 : f32
    %max3A_45 = vector.broadcast %max3A_44 : f32 to vector<400x512xf32>
    %max3A_46 = arith.maximumf %add3A_43, %max3A_45 : vector<400x512xf32>
    %swap3A = arith.constant 0 : index
    %swap3A_47 = arith.constant 0 : index
    %swap3A_48 = vector.load %arg8[%swap3A, %swap3A_47] : memref<400x512xf32, #tpu.memory_space<vmem>>, vector<400x512xf32>
    tpu.vector_store %arg8[%swap3A, %swap3A_47], %max3A_46 {strides = array<i32>} : memref<400x512xf32, #tpu.memory_space<vmem>>, vector<400x512xf32>,
    %slice3A_49 = vector.extract_strided_slice %max3A_46 {offsets = [0, 0], sizes = [400, 128], strides = [1, 1]} : vector<400x512xf32> to vector<400x128xf32>
    %get3A_50 = arith.constant 0 : index
    %get3A_51 = arith.constant 0 : index
    %get3A_52 = vector.load %arg7[%get3A_50, %get3A_51] : memref<400x512xf32, #tpu.memory_space<vmem>>, vector<400x128xf32>
    %sub3A = arith.subf %slice3A_49, %get3A_52 : vector<400x128xf32>
    %swap3A_53 = arith.constant 0 : index
    %swap3A_54 = arith.constant 0 : index
    %swap3A_55 = arith.constant 0 : index
    %swap3A_56 = vector.load %arg9[%swap3A_53, %swap3A_54, %swap3A_55] : memref<4x400x128xf32, #tpu.memory_space<vmem>>, vector<1x400x128xf32>
    %swap3A_57 = vector.shape_cast %swap3A_56 : vector<1x400x128xf32> to vector<400x128xf32>
    %swap3A_58 = vector.shape_cast %sub3A : vector<400x128xf32> to vector<1x400x128xf32>
    tpu.vector_store %arg9[%swap3A_53, %swap3A_54, %swap3A_55], %swap3A_58 {strides = array<i32>} : memref<4x400x128xf32, #tpu.memory_space<vmem>>, vector<1x400x128xf32>,
    %slice3A_59 = vector.extract_strided_slice %max3A_46 {offsets = [0, 128], sizes = [400, 128], strides = [1, 1]} : vector<400x512xf32> to vector<400x128xf32>
    %get3A_60 = arith.constant 0 : index
    %get3A_61 = arith.constant 128 : index
    %get3A_62 = vector.load %arg7[%get3A_60, %get3A_61] : memref<400x512xf32, #tpu.memory_space<vmem>>, vector<400x128xf32>
    %sub3A_63 = arith.subf %slice3A_59, %get3A_62 : vector<400x128xf32>
    %swap3A_64 = arith.constant 1 : index
    %swap3A_65 = arith.constant 0 : index
    %swap3A_66 = arith.constant 0 : index
    %swap3A_67 = vector.load %arg9[%swap3A_64, %swap3A_65, %swap3A_66] : memref<4x400x128xf32, #tpu.memory_space<vmem>>, vector<1x400x128xf32>
    %swap3A_68 = vector.shape_cast %swap3A_67 : vector<1x400x128xf32> to vector<400x128xf32>
    %swap3A_69 = vector.shape_cast %sub3A_63 : vector<400x128xf32> to vector<1x400x128xf32>
    tpu.vector_store %arg9[%swap3A_64, %swap3A_65, %swap3A_66], %swap3A_69 {strides = array<i32>} : memref<4x400x128xf32, #tpu.memory_space<vmem>>, vector<1x400x128xf32>,
    %slice3A_70 = vector.extract_strided_slice %max3A_46 {offsets = [0, 256], sizes = [400, 128], strides = [1, 1]} : vector<400x512xf32> to vector<400x128xf32>
    %get3A_71 = arith.constant 0 : index
    %get3A_72 = arith.constant 256 : index
    %get3A_73 = vector.load %arg7[%get3A_71, %get3A_72] : memref<400x512xf32, #tpu.memory_space<vmem>>, vector<400x128xf32>
    %sub3A_74 = arith.subf %slice3A_70, %get3A_73 : vector<400x128xf32>
    %swap3A_75 = arith.constant 2 : index
    %swap3A_76 = arith.constant 0 : index
    %swap3A_77 = arith.constant 0 : index
    %swap3A_78 = vector.load %arg9[%swap3A_75, %swap3A_76, %swap3A_77] : memref<4x400x128xf32, #tpu.memory_space<vmem>>, vector<1x400x128xf32>
    %swap3A_79 = vector.shape_cast %swap3A_78 : vector<1x400x128xf32> to vector<400x128xf32>
    %swap3A_80 = vector.shape_cast %sub3A_74 : vector<400x128xf32> to vector<1x400x128xf32>
    tpu.vector_store %arg9[%swap3A_75, %swap3A_76, %swap3A_77], %swap3A_80 {strides = array<i32>} : memref<4x400x128xf32, #tpu.memory_space<vmem>>, vector<1x400x128xf32>,
    %slice3A_81 = vector.extract_strided_slice %max3A_46 {offsets = [0, 384], sizes = [400, 128], strides = [1, 1]} : vector<400x512xf32> to vector<400x128xf32>
    %get3A_82 = arith.constant 0 : index
    %get3A_83 = arith.constant 384 : index
    %get3A_84 = vector.load %arg7[%get3A_82, %get3A_83] : memref<400x512xf32, #tpu.memory_space<vmem>>, vector<400x128xf32>
    %sub3A_85 = arith.subf %slice3A_81, %get3A_84 : vector<400x128xf32>
    %swap3A_86 = arith.constant 3 : index
    %swap3A_87 = arith.constant 0 : index
    %swap3A_88 = arith.constant 0 : index
    %swap3A_89 = vector.load %arg9[%swap3A_86, %swap3A_87, %swap3A_88] : memref<4x400x128xf32, #tpu.memory_space<vmem>>, vector<1x400x128xf32>
    %swap3A_90 = vector.shape_cast %swap3A_89 : vector<1x400x128xf32> to vector<400x128xf32>
    %swap3A_91 = vector.shape_cast %sub3A_85 : vector<400x128xf32> to vector<1x400x128xf32>
    tpu.vector_store %arg9[%swap3A_86, %swap3A_87, %swap3A_88], %swap3A_91 {strides = array<i32>} : memref<4x400x128xf32, #tpu.memory_space<vmem>>, vector<1x400x128xf32>,
    return
  }
  func.func @transform_0(%arg0: i32) -> (i32, i32) {
    %c0_i32 = arith.constant 0 : i32
    %c0_i32_0 = arith.constant 0 : i32
    return %arg0, %c0_i32 : i32, i32
  }
  func.func @transform_1(%arg0: i32) -> (i32, i32, i32) {
    %c0_i32 = arith.constant 0 : i32
    %c0_i32_0 = arith.constant 0 : i32
    %c0_i32_1 = arith.constant 0 : i32
    return %c0_i32, %arg0, %c0_i32_0 : i32, i32, i32
  }
  func.func @transform_2(%arg0: i32) -> (i32, i32, i32) {
    %c0_i32 = arith.constant 0 : i32
    %c0_i32_0 = arith.constant 0 : i32
    %c0_i32_1 = arith.constant 0 : i32
    return %c0_i32, %arg0, %c0_i32_0 : i32, i32, i32
  }
  func.func @transform_3(%arg0: i32) -> (i32, i32) {
    %c0_i32 = arith.constant 0 : i32
    %c0_i32_0 = arith.constant 0 : i32
    return %arg0, %c0_i32 : i32, i32
  }
  func.func @transform_4(%arg0: i32) -> (i32, i32) {
    %c0_i32 = arith.constant 0 : i32
    %c0_i32_0 = arith.constant 0 : i32
    %c0_i32_1 = arith.constant 0 : i32
    return %c0_i32, %c0_i32_0 : i32, i32
  }
  func.func @transform_5(%arg0: i32) -> (i32, i32) {
    %c0_i32 = arith.constant 0 : i32
    %c0_i32_0 = arith.constant 0 : i32
    %c0_i32_1 = arith.constant 0 : i32
    return %c0_i32, %c0_i32_0 : i32, i32
  }
  func.func @transform_6(%arg0: i32) -> (i32, i32) {
    %c0_i32 = arith.constant 0 : i32
    %c0_i32_0 = arith.constant 0 : i32
    return %arg0, %c0_i32 : i32, i32
  }
  func.func @transform_7(%arg0: i32) -> (i32, i32) {
    %c0_i32 = arith.constant 0 : i32
    %c0_i32_0 = arith.constant 0 : i32
    return %arg0, %c0_i32 : i32, i32
  }
  func.func @transform_8(%arg0: i32) -> (i32, i32, i32) {
    %c0_i32 = arith.constant 0 : i32
    %c0_i32_0 = arith.constant 0 : i32
    %c0_i32_1 = arith.constant 0 : i32
    return %c0_i32, %arg0, %c0_i32_0 : i32, i32, i32
  }
}

module attributes {stable_mosaic.version = 14 : i64} {
  func.func @_layer1_body(%arg0: i32, %arg1: memref<400x512xf32, #tpu.memory_space<vmem>>, %arg2: memref<4x400x128xf32, #tpu.memory_space<vmem>>, %arg3: memref<2x400x128xf32, #tpu.memory_space<vmem>>, %arg4: memref<400x512xf32, #tpu.memory_space<vmem>>, %arg5: memref<128x1024xf32, #tpu.memory_space<vmem>>, %arg6: memref<1x128xf32, #tpu.memory_space<vmem>>, %arg7: memref<400x128xf32, #tpu.memory_space<vmem>>) attributes {dimension_semantics = [#tpu.dimension_semantics<arbitrary>], iteration_bounds = array<i64: 25>, scalar_prefetch = 0 : i64, scratch_operands = 0 : i64, tpu.core_type = #tpu.core_type<tc>, window_params = [{transform_indices = @transform_0, window_bounds = array<i64: 400, 512>}, {transform_indices = @transform_1, window_bounds = array<i64: 4, 400, 128>}, {transform_indices = @transform_2, window_bounds = array<i64: 2, 400, 128>}, {transform_indices = @transform_3, window_bounds = array<i64: 400, 512>}, {pipeline_mode = #tpu.pipeline_mode<synchronous>, transform_indices = @transform_4, window_bounds = array<i64: 128, 1024>}, {pipeline_mode = #tpu.pipeline_mode<synchronous>, transform_indices = @transform_5, window_bounds = array<i64: 1, 128>}, {transform_indices = @transform_6, window_bounds = array<i64: 400, 128>}]} {
    %get3A = arith.constant 0 : index
    %get3A_0 = arith.constant 0 : index
    %get3A_1 = arith.constant 0 : index
    %get3A_2 = vector.load %arg3[%get3A, %get3A_0, %get3A_1] : memref<2x400x128xf32, #tpu.memory_space<vmem>>, vector<1x400x128xf32>
    %get3A_3 = vector.shape_cast %get3A_2 : vector<1x400x128xf32> to vector<400x128xf32>
    %slice3A = vector.extract_strided_slice %get3A_3 {offsets = [0, 0], sizes = [400, 1], strides = [1, 1]} : vector<400x128xf32> to vector<400x1xf32>
    %get3A_4 = arith.constant 1 : index
    %get3A_5 = arith.constant 0 : index
    %get3A_6 = arith.constant 0 : index
    %get3A_7 = vector.load %arg3[%get3A_4, %get3A_5, %get3A_6] : memref<2x400x128xf32, #tpu.memory_space<vmem>>, vector<1x400x128xf32>
    %get3A_8 = vector.shape_cast %get3A_7 : vector<1x400x128xf32> to vector<400x128xf32>
    %slice3A_9 = vector.extract_strided_slice %get3A_8 {offsets = [0, 0], sizes = [400, 1], strides = [1, 1]} : vector<400x128xf32> to vector<400x1xf32>
    %add3A = arith.addf %slice3A, %slice3A_9 : vector<400x1xf32>
    %max3A = arith.constant 1.000000e+00 : f32
    %max3A_10 = vector.broadcast %max3A : f32 to vector<400x1xf32>
    %max3A_11 = arith.maximumf %add3A, %max3A_10 : vector<400x1xf32>
    %get3A_12 = arith.constant 0 : index
    %get3A_13 = arith.constant 0 : index
    %get3A_14 = vector.load %arg4[%get3A_12, %get3A_13] : memref<400x512xf32, #tpu.memory_space<vmem>>, vector<400x512xf32>
    %get3A_15 = arith.constant 0 : index
    %get3A_16 = arith.constant 0 : index
    %get3A_17 = arith.constant 0 : index
    %get3A_18 = vector.load %arg2[%get3A_15, %get3A_16, %get3A_17] : memref<4x400x128xf32, #tpu.memory_space<vmem>>, vector<1x400x128xf32>
    %get3A_19 = vector.shape_cast %get3A_18 : vector<1x400x128xf32> to vector<400x128xf32>
    %get3A_20 = arith.constant 1 : index
    %get3A_21 = arith.constant 0 : index
    %get3A_22 = arith.constant 0 : index
    %get3A_23 = vector.load %arg2[%get3A_20, %get3A_21, %get3A_22] : memref<4x400x128xf32, #tpu.memory_space<vmem>>, vector<1x400x128xf32>
    %get3A_24 = vector.shape_cast %get3A_23 : vector<1x400x128xf32> to vector<400x128xf32>
    %get3A_25 = arith.constant 2 : index
    %get3A_26 = arith.constant 0 : index
    %get3A_27 = arith.constant 0 : index
    %get3A_28 = vector.load %arg2[%get3A_25, %get3A_26, %get3A_27] : memref<4x400x128xf32, #tpu.memory_space<vmem>>, vector<1x400x128xf32>
    %get3A_29 = vector.shape_cast %get3A_28 : vector<1x400x128xf32> to vector<400x128xf32>
    %get3A_30 = arith.constant 3 : index
    %get3A_31 = arith.constant 0 : index
    %get3A_32 = arith.constant 0 : index
    %get3A_33 = vector.load %arg2[%get3A_30, %get3A_31, %get3A_32] : memref<4x400x128xf32, #tpu.memory_space<vmem>>, vector<1x400x128xf32>
    %get3A_34 = vector.shape_cast %get3A_33 : vector<1x400x128xf32> to vector<400x128xf32>
    %concatenate3A = tpu.concatenate %get3A_19, %get3A_24, %get3A_29, %get3A_34 in 1 : vector<400x128xf32>, vector<400x128xf32>, vector<400x128xf32>, vector<400x128xf32> -> vector<400x512xf32>
    %div3A = vector.broadcast %max3A_11 : vector<400x1xf32> to vector<400x512xf32>
    %div3A_35 = arith.divf %concatenate3A, %div3A : vector<400x512xf32>
    %add3A_36 = arith.addf %get3A_14, %div3A_35 : vector<400x512xf32>
    %get3A_37 = arith.constant 0 : index
    %get3A_38 = arith.constant 0 : index
    %get3A_39 = vector.load %arg5[%get3A_37, %get3A_38] : memref<128x1024xf32, #tpu.memory_space<vmem>>, vector<128x1024xf32>
    %get3A_40 = arith.constant 0 : index
    %get3A_41 = arith.constant 0 : index
    %get3A_42 = vector.load %arg1[%get3A_40, %get3A_41] : memref<400x512xf32, #tpu.memory_space<vmem>>, vector<400x512xf32>
    %slice3A_43 = vector.extract_strided_slice %get3A_39 {offsets = [0, 0], sizes = [128, 512], strides = [1, 1]} : vector<128x1024xf32> to vector<128x512xf32>
    %dot_general3A = arith.constant dense<0.000000e+00> : vector<400x128xf32>
    %dot_general3A_44 = tpu.matmul %get3A_42, %slice3A_43, %dot_general3A {dimension_numbers = #tpu.dot_dimension_numbers<[1], [1], [0], [0], [0, 0, 1, 0], [], []>, transpose_lhs_hint = false} : vector<400x512xf32>, vector<128x512xf32>, vector<400x128xf32> -> vector<400x128xf32>
    %slice3A_45 = vector.extract_strided_slice %get3A_39 {offsets = [0, 512], sizes = [128, 512], strides = [1, 1]} : vector<128x1024xf32> to vector<128x512xf32>
    %dot_general3A_46 = arith.constant dense<0.000000e+00> : vector<400x128xf32>
    %dot_general3A_47 = tpu.matmul %add3A_36, %slice3A_45, %dot_general3A_46 {dimension_numbers = #tpu.dot_dimension_numbers<[1], [1], [0], [0], [0, 0, 1, 0], [], []>, transpose_lhs_hint = false} : vector<400x512xf32>, vector<128x512xf32>, vector<400x128xf32> -> vector<400x128xf32>
    %add3A_48 = arith.addf %dot_general3A_44, %dot_general3A_47 : vector<400x128xf32>
    %get3A_49 = arith.constant 0 : index
    %get3A_50 = arith.constant 0 : index
    %get3A_51 = vector.load %arg6[%get3A_49, %get3A_50] : memref<1x128xf32, #tpu.memory_space<vmem>>, vector<1x128xf32>
    %add3A_52 = vector.broadcast %get3A_51 : vector<1x128xf32> to vector<400x128xf32>
    %add3A_53 = arith.addf %add3A_48, %add3A_52 : vector<400x128xf32>
    %swap3A = arith.constant 0 : index
    %swap3A_54 = arith.constant 0 : index
    %swap3A_55 = vector.load %arg7[%swap3A, %swap3A_54] : memref<400x128xf32, #tpu.memory_space<vmem>>, vector<400x128xf32>
    tpu.vector_store %arg7[%swap3A, %swap3A_54], %add3A_53 {strides = array<i32>} : memref<400x128xf32, #tpu.memory_space<vmem>>, vector<400x128xf32>,
    return
  }
  func.func @transform_0(%arg0: i32) -> (i32, i32) {
    %c0_i32 = arith.constant 0 : i32
    %c0_i32_0 = arith.constant 0 : i32
    return %arg0, %c0_i32 : i32, i32
  }
  func.func @transform_1(%arg0: i32) -> (i32, i32, i32) {
    %c0_i32 = arith.constant 0 : i32
    %c0_i32_0 = arith.constant 0 : i32
    %c0_i32_1 = arith.constant 0 : i32
    return %c0_i32, %arg0, %c0_i32_0 : i32, i32, i32
  }
  func.func @transform_2(%arg0: i32) -> (i32, i32, i32) {
    %c0_i32 = arith.constant 0 : i32
    %c0_i32_0 = arith.constant 0 : i32
    %c0_i32_1 = arith.constant 0 : i32
    return %c0_i32, %arg0, %c0_i32_0 : i32, i32, i32
  }
  func.func @transform_3(%arg0: i32) -> (i32, i32) {
    %c0_i32 = arith.constant 0 : i32
    %c0_i32_0 = arith.constant 0 : i32
    return %arg0, %c0_i32 : i32, i32
  }
  func.func @transform_4(%arg0: i32) -> (i32, i32) {
    %c0_i32 = arith.constant 0 : i32
    %c0_i32_0 = arith.constant 0 : i32
    %c0_i32_1 = arith.constant 0 : i32
    return %c0_i32, %c0_i32_0 : i32, i32
  }
  func.func @transform_5(%arg0: i32) -> (i32, i32) {
    %c0_i32 = arith.constant 0 : i32
    %c0_i32_0 = arith.constant 0 : i32
    %c0_i32_1 = arith.constant 0 : i32
    return %c0_i32, %c0_i32_0 : i32, i32
  }
  func.func @transform_6(%arg0: i32) -> (i32, i32) {
    %c0_i32 = arith.constant 0 : i32
    %c0_i32_0 = arith.constant 0 : i32
    return %arg0, %c0_i32 : i32, i32
  }
}

</mosaic_0001>

<sc_bundles>
// kernel: kernel.10.cloned.1.call-start
scs
__scs_entry_jumppad:
0x0: {  	(pc) =	sbr.rel $0x88, $3  }
0x1: {  	(tag) =	ssettag $0x0;
	lr =	simm.s32 $0x1  }
0x2: {  	[smem:$0x3F96] =	sst lr;
	_ =	strace $0xD0000000  }
0x3: {  	_ = 	snop  }
0x4: {  	_ = 	snop  }
0x5: {  	_ = 	snop  }
0x6: {  	_ = 	snop  }
0x7: {  	_ = 	snop  }
__scs_overlays_trampoline_lowered:
0x8: {  	[smem:$0x3FA5] =	sst s0  }
0x9: {  	[smem:$0x3FA6] =	sst s1  }
0xa: {  	[smem:$0x3FA7] =	sst s2  }
0xb: {  	[smem:$0x3FA8] =	sst s3  }
0xc: {  	[smem:$0x3FA9] =	sst s4  }
0xd: {  	[smem:$0x3FAA] =	sst s5  }
0xe: {  	[smem:$0x3FAB] =	sst s6  }
0xf: {  	[smem:$0x3FAC] =	sst s7  }
0x10: {  	[smem:$0x3FAD] =	sst s8  }
0x11: {  	[smem:$0x3FAE] =	sst s9;
	s0 =	simm.s32 @!p0 $0x0  }
0x12: {  	s1 =	sld [smem:$0x3F94];
	s0 =	simm.s32 @p0 $0x1  }
0x13: {  	[smem:$0x3FAF] =	sst s0;
	s0 =	simm.s32 @!p1 $0x0  }
0x14: {  	s2 =	sld [smem:$0x3F93];
	s0 =	simm.s32 @p1 $0x1  }
0x15: {  	[smem:$0x3FB0] =	sst s0;
	s0 =	simm.s32 @!p2 $0x0  }
0x16: {  	s3 =	sld [smem:$0x3FDB];
	s0 =	simm.s32 @p2 $0x1  }
0x17: {  	s4 =	simm.s32 $0x1BF5;
	[smem:$0x3FB2] =	sst s0  }
0x18: {  	s0 =	sld [smem:$0x3F95];
	_ =	swait.ge [sflag:s4], $0x0  }
0x19: {  	s7 =	sld [smem:$0x3F96]  }
0x1a: {  	s8 =	sadd.s32 $0xFFFFE003, lr  }
0x1b: {  	s9 =	sadd.s32 $0xFFFFFEF7, lr;
	s5 =	simm.s32 $0xFFFFFFFF;
	p2 =	slt.u32 s8, $0xFFFFF086  }
0x1c: {  	p1 =	slt.u32 s9, $0xF7A;
	s5 =	simm.s32 @!p2 $0x0  }
0x1d: {  	s5 =	simm.s32 @p1 $0x1;
	p0 =	seq.s32 s7, s2  }
0x1e: {  	s7 =	smul.u32 @!p0 $0xF7A, s2;
	p2 =	seq.s32 @!p0 s5, $0x0  }
0x1f: {  	s9 =	smul.u32 $0xF7A, s1;
	s8 =	simm.s32 @!p0 $0x1BF5;
	p2 =	por !p2, p0  }
0x20: {  	[sflag:s8] =	ssyncset.s32 @!p0 $0xFFFFF086;
	s6 =	sadd.s32 @!p0 s3, s7;
	s7 =	simm.s32 @!p0 $0x108  }
0x21: {  	s3 =	sadd.s32 s3, s9;
	s6 =	sadd.s32 @!p0 $0x88, s6;
	s7 =	simm.s32 @p2 $0x1082  }
0x22: {  	[simem:s7], [sflag:s8] =	dma.local @!p0 [hbm:s6], $0xF7A  }
0x23: {  	s9 =	sor.u32 $0xD0000000, s2;
	s6 =	simm.s32 $0x108;
	_ =	swait.ge @!p0 [sflag:s8], $0x0  }
0x24: {  	s3 =	sadd.s32 $0x88, s3;
	s6 =	simm.s32 @!p1 $0x1082;
	[sflag:s4] =	ssyncset.s32 $0xFFFFF086  }
0x25: {  	[simem:s6], [sflag:s4] =	dma.local [hbm:s3], $0xF7A  }
0x26: {  	[smem:$0x3F96] =	sst s1;
	(tag) =	ssettag s2;
	_ =	strace s9  }
0x27: {  	s1 =	sld [smem:$0x3FA6]  }
0x28: {  	s2 =	sld [smem:$0x3FA7]  }
0x29: {  	s4 =	sld [smem:$0x3FA9]  }
0x2a: {  	p0 =	seq.s32 s5, $0x0;
	s5 =	sld [smem:$0x3FAA]  }
0x2b: {  	s6 =	sld [smem:$0x3FAB]  }
0x2c: {  	s7 =	sld [smem:$0x3FAC]  }
0x2d: {  	s3 =	simm.s32 $0x108;
	s8 =	sld [smem:$0x3FAD]  }
0x2e: {  	s3 =	simm.s32 @!p0 $0x1082;
	s9 =	sld [smem:$0x3FAE]  }
0x2f: {  	lr =	sadd.s32 s0, s3;
	s0 =	sld [smem:$0x3FA5]  }
0x30: {  	s3 =	sld [smem:$0x3FA8]  }
0x31: {  	[smem:$0x3FB1] =	sst s10  }
0x32: {  	s10 =	sld [smem:$0x3FAF];
	_ =	sdelay $0x3  }
0x33: {  	p0 =	seq.s32 s10, $0x1;
	s10 =	sld [smem:$0x3FB1];
	_ =	sdelay $0x3  }
0x34: {  	[smem:$0x3FB1] =	sst s10  }
0x35: {  	s10 =	sld [smem:$0x3FB0];
	_ =	sdelay $0x3  }
0x36: {  	p1 =	seq.s32 s10, $0x1;
	s10 =	sld [smem:$0x3FB1];
	_ =	sdelay $0x3  }
0x37: {  	[smem:$0x3FB1] =	sst s10  }
0x38: {  	s10 =	sld [smem:$0x3FB2]  }
0x39: {  	_ = 	snop;
	(pc) =	sbr.ind lr, $3  }
0x3a: {  	_ = 	snop  }
0x3b: {  	_ = 	snop  }
0x3c: {  	p2 =	seq.s32 s10, $0x1;
	s10 =	sld [smem:$0x3FB1]  }
0x3d: {  	_ =	shalt  }
0x3e: {  	_ =	shalt  }
0x3f: {  	_ =	shalt  }
0x40: {  	_ =	shalt  }
0x41: {  	_ =	shalt  }
0x42: {  	_ =	shalt  }
0x43: {  	_ =	shalt  }
0x44: {  	_ =	shalt  }
0x45: {  	_ =	shalt  }
0x46: {  	_ =	shalt  }
0x47: {  	_ =	shalt  }
0x48: {  	_ =	shalt  }
0x49: {  	_ =	shalt  }
0x4a: {  	_ =	shalt  }
0x4b: {  	_ =	shalt  }
0x4c: {  	_ =	shalt  }
0x4d: {  	_ =	shalt  }
0x4e: {  	_ =	shalt  }
0x4f: {  	_ =	shalt  }
0x50: {  	_ =	shalt  }
0x51: {  	_ =	shalt  }
0x52: {  	_ =	shalt  }
0x53: {  	_ =	shalt  }
0x54: {  	_ =	shalt  }
0x55: {  	_ =	shalt  }
0x56: {  	_ =	shalt  }
0x57: {  	_ =	shalt  }
0x58: {  	_ =	shalt  }
0x59: {  	_ =	shalt  }
0x5a: {  	_ =	shalt  }
0x5b: {  	_ =	shalt  }
0x5c: {  	_ =	shalt  }
0x5d: {  	_ =	shalt  }
0x5e: {  	_ =	shalt  }
0x5f: {  	_ =	shalt  }
0x60: {  	_ =	shalt  }
0x61: {  	_ =	shalt  }
0x62: {  	_ =	shalt  }
0x63: {  	_ =	shalt  }
0x64: {  	_ =	shalt  }
0x65: {  	_ =	shalt  }
0x66: {  	_ =	shalt  }
0x67: {  	_ =	shalt  }
0x68: {  	_ =	shalt  }
0x69: {  	_ =	shalt  }
0x6a: {  	_ =	shalt  }
0x6b: {  	_ =	shalt  }
0x6c: {  	_ =	shalt  }
0x6d: {  	_ =	shalt  }
0x6e: {  	_ =	shalt  }
0x6f: {  	_ =	shalt  }
0x70: {  	_ =	shalt  }
0x71: {  	_ =	shalt  }
0x72: {  	_ =	shalt  }
0x73: {  	_ =	shalt  }
0x74: {  	_ =	shalt  }
0x75: {  	_ =	shalt  }
0x76: {  	_ =	shalt  }
0x77: {  	_ =	shalt  }
0x78: {  	_ =	shalt  }
0x79: {  	_ =	shalt  }
0x7a: {  	_ =	shalt  }
0x7b: {  	_ =	shalt  }
0x7c: {  	_ =	shalt  }
0x7d: {  	_ =	shalt  }
0x7e: {  	_ =	shalt  }
0x7f: {  	_ =	shalt  }
0x80: {  	_ =	shalt  }
0x81: {  	_ =	shalt  }
0x82: {  	_ =	shalt  }
0x83: {  	_ =	shalt  }
0x84: {  	_ =	shalt  }
0x85: {  	_ =	shalt  }
0x86: {  	_ =	shalt  }
0x87: {  	_ =	shalt  }
.Lfunc_end0:
.L_simem_size_0:
called_computation.1_lowered:
.L_overlay_start_0:
0x88: {  	s2 =	sld [smem:$0x3FD9]  }
0x89: {  	s3 =	sld [smem:$0x3FFE];
	_ =	sdelay $0x1  }
0x8a: {  	s1 =	srdreg.scid  }
0x8b: {  	s0 =	sand.u32 $0x1, s1  }
0x8c: {  	s17 =	sshll.u32 s0, $0xA;
	s2 =	sadd.s32 s3, s2  }
0x8d: {  	s2 =	sadd.s32 s2, s17  }
0x8e: {  	[smem:$0x3FBD] =	sst s2  }
0x8f: {  	_ = 	snop  }
0x90: {  	s2 =	sld [smem:$0x3FD0];
	(tm) =	ssettm $0x1  }
0x91: {  	s18 =	sld [smem:$0x3FFB];
	_ =	sdelay $0x3  }
0x92: {  	_ =	strace s18  }
0x93: {  	s3 =	sld [smem:$0x3FFC];
	_ =	sdelay $0x3  }
0x94: {  	_ =	strace s3  }
0x95: {  	s3 =	sld [smem:$0x3FFD];
	_ =	sdelay $0x3  }
0x96: {  	_ =	strace s3  }
0x97: {  	_ =	strace $0x8FFFFFFF  }
0x98: {  	s19 =	sld [smem:$0x3FDB];
	_ =	sdelay $0x1  }
0x99: {  	s4 =	simm.s32 $_scs_section_size  }
0x9a: {  	s5 =	simm.s32 $_size__tile_overlayer_lowered;
	s6 =	simm.s32 $_tile_overlayer_lowered  }
0x9b: {  	s22 =	simm.s32 $0x1BFF;
	s21 =	sshll.u32 s6, $0x1;
	s3 =	sadd.s32 s4, s19  }
0x9c: {  	s7 =	simm.s32 $0x0;
	s20 =	sshll.u32 s5, $0x1;
	s5 =	sadd.s32 s21, s3  }
0x9d: {  	[timem:s7], [sflag:s22] =	dma.local [hbm:s5], s20  }
0x9e: {  	_ =	swait.ge [sflag:s22], s20  }
0x9f: {  	s4 =	ssub.s32 $0x0, s20;
	[sflag:s22] =	ssyncset.done $0x0  }
0xa0: {  	[sflag:s22] =	ssyncadd.s32 s4;
	_ =	sdelay $0x1  }
0xa1: {  	s23 =	simm.s32 $0x1B8B  }
0xa2: {  	_ =	swait.ge [sflag:s23], $0x1  }
0xa3: {  	[sflag:s23] =	ssyncset.done $0x0  }
0xa4: {  	s25 =	simm.s32 $0x1B8E;
	s24 =	sld [smem:$0x3FFE];
	[sflag:s23] =	ssyncadd.s32 $0xFFFFFFFF  }
0xa5: {  	s26 =	simm.s32 $execute0_lowered;
	[smem:$0x3FD2] =	sst s25  }
0xa6: {  	s5 =	sshll.u32 s26, $0x1;
	_ =	strace $0x80000049;
	[dreg:$0x1] =	wrdreg $0xFFFFFFFF  }
0xa7: {  	s28 =	simm.s32 $_size_execute0_lowered;
	s3 =	sadd.s32 s3, s5;
	[dreg:$0x0] =	wrdreg $0x0  }
0xa8: {  	s5 =	sshll.u32 s28, $0x1;
	[dreg:$0x2] =	wrdreg s3  }
0xa9: {  	[dreg:$0x3] =	wrdreg s5  }
0xaa: {  	[dreg:$0x4] =	wrdreg $0xC0  }
0xab: {  	_ =	task [dreg:s7], $0x5FFFF  }
0xac: {  	[dreg:$0x1] =	wrdreg $0xFFFFFFFF  }
0xad: {  	[dreg:$0x0] =	wrdreg $0x60  }
0xae: {  	[dreg:$0x2] =	wrdreg s24  }
0xaf: {  	[dreg:$0x3] =	wrdreg s2  }
0xb0: {  	[dreg:$0x4] =	wrdreg $0x81000  }
0xb1: {  	[dreg:$0x5] =	wrdreg $0x9  }
0xb2: {  	_ =	task.clear_ibuf [dreg:s7], $0x6FFFF;
	_ =	strace $0x90000049  }
0xb3: {  	s29 =	simm.s32 $0x9;
	_ =	strace $0x8000004B  }
0xb4: {  	_ =	swait.ge [sflag:s29], $0x1  }
0xb5: {  	[sflag:s29] =	ssyncadd.s32 $0xFFFFFFFF  }
0xb6: {  	_ =	strace $0x9000004B  }
0xb7: {  	_ =	sfence  }
0xb8: {  	s30 =	sld [smem:$0x0];
	_ =	sdelay $0x2  }
0xb9: {  	s31 =	sshll.u32 s1, $0xD;
	s1 =	sshrl.u32 s1, $0x2  }
0xba: {  	s3 =	sand.u32 $0x4000, s31;
	s1 =	sadd.s32 s1, s30  }
0xbb: {  	s0 =	sor.u32 s3, s0;
	s1 =	sshll.u32 s1, $0x11  }
0xbc: {  	s0 =	sor.u32 s1, s0  }
0xbd: {  	s0 =	sadd.s32 $0x8F2B, s0  }
0xbe: {  	[sflag:s0] =	ssyncadd.remote.s32 $0x1  }
0xbf: {  	_ =	sfence.sel $0xFFFF  }
0xc0: {  	[dreg:$0x0] =	wrdreg $0xFFFFFFFF;
	(pc) =	sbr.abs _section_cstart, $3  }
0xc1: {  	[dreg:$0x1] =	wrdreg $0xFFFFFFFF  }
0xc2: {  	_ =	task.clear_ibuf [dreg:s7], $0x2FFFF;
	_ =	strace $0x9FFFFFFF  }
0xc3: {  	(tm) =	ssettm $0x7FFFFFFF  }
tec
execute0_lowered:
.L_overlay_start_1:
0x0: {  	(tag) =	ssettag $0x1  }
0x1: {  	s5 =	rddreg [dreg:$0x0];
	s0 =	srdreg.scid  }
0x2: {  	s18 =	stileid.u32;
	s6 =	rddreg [dreg:$0x1]  }
0x3: {  	s1 =	rddreg [dreg:$0x2];
	s2 =	simm.s32 $0x0;
	s3 =	smul.u32 $0x271, s18  }
0x4: {  	s10 =	sand.u32 $0x1, s0;
	s0 =	rddreg [dreg:$0x3];
	s25 =	smul.u32 $0x27, s18  }
0x5: {  	s4 =	sand.u32 $0x7, s18;
	[smem:$0x7FF] =	sst s2;
	s26 =	smul.u32 $0x2700, s18  }
0x6: {  	s17 =	sadd.s32 $0xFFE00, s5;
	s16 =	sadd.s32 $0xFAE00, s5;
	s30 =	smul.u32 $0x4E0, s18  }
0x7: {  	s13 =	sadd.s32 $0x5EA00, s5;
	p1 =	seq.s32 s18, $0x0;
	s7 =	smul.u32 $0x2710, s10  }
0x8: {  	p0 =	sne.s32 s18, $0x0;
	_ =	strace $0x8000004A;
	s21 =	smul.u32 $0x4E20, s10  }
0x9: {  	s22 =	sshllo.u32 s10, $0x1;
	s23 =	smul.u32 $0x4E200, s10;
	s11 =	ssub.s32 s3, s4  }
0xa: {  	s3 =	sadd.s32 s7, s11;
	s4 =	sshll.u32 s11, $0x7;
	s9 =	sshll.u32 s11, $0x9  }
0xb: {  	s14 =	sshll.u32 s11, $0x4;
	s3 =	sshll.u32 s3, $0x7;
	s12 =	sand.u32 $0x380, s4  }
0xc: {  	s4 =	sadd.s32 $0x5E200, s5;
	s19 =	sshra.s32 s9, $0x2;
	s20 =	sand.u32 $0xFFFFF80, s14  }
0xd: {  	s9 =	simm.s32 $0x4F;
	s14 =	sadd.s32 s21, s11;
	s21 =	smul.u32 $0x271, s10  }
0xe: {  	s3 =	sand.u32 $0x7FFFFC00, s3;
	s6 =	sadd.s32 s6, s20;
	s20 =	smin.u32 s18, $0x2  }
0xf: {  	s14 =	sshll.u32 s14, $0x7;
	s31 =	sor.u32 s12, s3;
	s3 =	sadd.s32 $0x113800, s5  }
0x10: {  	s14 =	sand.u32 $0x7FFFFC00, s14;
	s28 =	sshll.u32 s20, $0x7;
	s20 =	sshll.u32 s20, $0x4  }
0x11: {  	s7 =	sshrl.u32 s31, $0x3;
	s14 =	sor.u32 s12, s14;
	s31 =	sshll.u32 s18, $0x6  }
0x12: {  	s8 =	sadd.s32 s7, s5;
	s7 =	ssub.s32 $0x2, s10;
	s5 =	sadd.s32 s19, s1  }
0x13: {  	s19 =	smul.u32 $0x2710, s22;
	s24 =	sshrl.u32 s14, $0x3;
	s14 =	sadd.s32 s25, s21  }
0x14: {  	s21 =	simm.s32 $0x80;
	s22 =	simm.s32 $0x100;
	s15 =	sshrl.u32 s7, $0x1  }
0x15: {  	s8 =	sadd.s32 $0x1200, s8;
	s10 =	sadd.s32 s13, s24;
	s15 =	ssub.s32 s7, s15  }
0x16: {  	s7 =	simm.s32 $0x28;
	s11 =	sadd.s32 s11, s19;
	s19 =	sadd.s32 s26, s23  }
0x17: {  	s23 =	simm.s32 $0x0;
	s7 =	simm.s32 @!p1 $0x27;
	p1 =	slt.u32 s18, $0x2  }
0x18: {  	s11 =	sshll.u32 s11, $0x7;
	s19 =	sadd.s32 s28, s19;
	s18 =	simm.s32 $0x4100  }
0x19: {  	s9 =	simm.s32 @!p1 $0x4E;
	s11 =	sand.u32 $0x7FFFFC00, s11;
	s29 =	sshrl.u32 s19, $0x3  }
0x1a: {  	s11 =	sor.u32 s12, s11;
	s12 =	smax.u32 s15, $0x1;
	s15 =	simm.s32 $0x1  }
0x1b: {  	s19 =	sadd.s32 $0x27100, s19;
	s11 =	sshrl.u32 s11, $0x3;
	s15 =	simm.s32 @!p0 $0x0  }
0x1c: {  	s19 =	sshrl.u32 s19, $0x3;
	s11 =	sadd.s32 s13, s11;
	s14 =	sadd.s32 s15, s14  }
0x1d: {  	s13 =	simm.s32 $0x1;
	s15 =	sadd.s32 s29, s17;
	s14 =	sshll.u32 s14, $0x4  }
0x1e: {  	s17 =	sadd.s32 s19, s17;
	s14 =	sadd.s32 s14, s16;
	s16 =	sadd.s32 s30, s16  }
0x1f: {  	s19 =	simm.s32 $0x2;
	s16 =	sadd.s32 s20, s16;
	s20 =	sor.u32 $0x1C02, s31  }
.LBB2_1:
0x20: {  	[tilespmem:s18], [sflag:$0x2] =	stream.linear.gather [hbm4b:s4+s2], $0x4000, $0x38;
	[tilespmem:$0x1B980] =	vst v63  }
0x21: {  	_ =	swait.ge [sflag:s19], $0x4000  }
0x22: {  	[sflag:s19] =	ssyncset.done $0x0  }
0x23: {  	s24 =	sshrl.u32 s5, $0x3;
	[sflag:s19] =	ssyncadd.s32 $0xFFFFC000  }
0x24: {  	[spmem:s24], [sflag:s20] =	dma.local [hbm:s6], $0x2780  }
0x25: {  	_ =	swait.ge [sflag:s19], $0x2780  }
0x26: {  	[sflag:s19] =	ssyncset.done $0x0  }
0x27: {  	[sflag:s19] =	ssyncadd.s32 $0xFFFFD880  }
0x28: {  	[bflag:$0x0] =	sbarrier.arrive $0xFFFF  }
0x29: {  	[tilespmem:s21], [sflag:$0x2] =	stream.linear.gather [hbm4b:s14+s2], $0x80, $0x38;
	[tilespmem:$0x1B980] =	vst v63  }
0x2a: {  	p1 =	sne.s32 s7, $0x1;
	_ =	swait.ge [sflag:s19], $0x80  }
.Ltmp0:
0x2b: {  	[sflag:s19] =	ssyncset.done $0x0;
	(pc) =	sbr.rel @!p1 .LBB2_3-.Ltmp0, $4  }
0x2c: {  	[sflag:s19] =	ssyncadd.s32 $0xFFFFFF80  }
0x2d: {  	[spmem:s1] =	stream.indirect.scatter.add.f32 [tilespmem:s18], [sflag:$0x2], $0x80, s21, s21, $0xb8;
	[tilespmem:$0x1B980] =	vst v63  }
0x2e: {  	_ =	swait.ge [sflag:s19], $0x4000  }
0x2f: {  	s25 =	sadd.s32 $0xFFFFFFFF, s7;
	s26 =	smov.u32 s14;
	[sflag:s19] =	ssyncset.done $0x0  }
.LBB2_2:
0x30: {  	p1 =	sne.s32 s25, $0x1;
	[sflag:s19] =	ssyncadd.s32 $0xFFFFC000;
	s26 =	sadd.s32 $0x10, s26  }
0x31: {  	[tilespmem:s21], [sflag:$0x2] =	stream.linear.gather [hbm4b:s26+s2], $0x80, $0x38;
	[tilespmem:$0x1B980] =	vst v63  }
0x32: {  	s25 =	sadd.s32 $0xFFFFFFFF, s25;
	_ =	swait.ge [sflag:s19], $0x80  }
.Ltmp1:
0x33: {  	[sflag:s19] =	ssyncset.done $0x0;
	(pc) =	sbr.rel @p1 .LBB2_2-.Ltmp1, $4  }
0x34: {  	[sflag:s19] =	ssyncadd.s32 $0xFFFFFF80  }
0x35: {  	[spmem:s1] =	stream.indirect.scatter.add.f32 [tilespmem:s18], [sflag:$0x2], $0x80, s21, s21, $0xb8;
	[tilespmem:$0x1B980] =	vst v63  }
0x36: {  	_ =	swait.ge [sflag:s19], $0x4000  }
0x37: {  	[sflag:s19] =	ssyncset.done $0x0  }
.LBB2_3:
0x38: {  	[sflag:s19] =	ssyncadd.s32 $0xFFFFC000  }
0x39: {  	[bflag:$0x0] =	sbarrier.arrive $0xFFFF  }
0x3a: {  	[hbm:s8], [sflag:s20] =	dma.local [spmem:s24], $0x2780  }
0x3b: {  	_ =	swait.ge [sflag:s19], $0x2780  }
0x3c: {  	[sflag:s19] =	ssyncset.done $0x0  }
0x3d: {  	[sflag:s19] =	ssyncadd.s32 $0xFFFFD880  }
0x3e: {  	[bflag:$0x0] =	sbarrier.arrive $0xFFFF  }
0x3f: {  	[spmem:s24], [sflag:s20] =	dma.local [hbm:s6], $0x2780  }
0x40: {  	_ =	swait.ge [sflag:s19], $0x2780  }
0x41: {  	[sflag:s19] =	ssyncset.done $0x0  }
0x42: {  	[sflag:s19] =	ssyncadd.s32 $0xFFFFD880  }
0x43: {  	[bflag:$0x0] =	sbarrier.arrive $0xFFFF  }
0x44: {  	[tilespmem:s2], [sflag:$0x2] =	stream.linear.gather [hbm4b:s15+s2], $0x80, $0x38;
	[tilespmem:$0x1B980] =	vst v63  }
0x45: {  	_ =	swait.ge [sflag:s19], $0x80  }
0x46: {  	[sflag:s19] =	ssyncset.done $0x0  }
0x47: {  	[sflag:s19] =	ssyncadd.s32 $0xFFFFFF80  }
0x48: {  	[tilespmem:s21], [sflag:$0x2] =	stream.linear.gather [hbm4b:s16+s2], $0x80, $0x38;
	[tilespmem:$0x1B980] =	vst v63  }
0x49: {  	_ =	swait.ge [sflag:s19], $0x80  }
0x4a: {  	[sflag:s19] =	ssyncset.done $0x0  }
0x4b: {  	[sflag:s19] =	ssyncadd.s32 $0xFFFFFF80  }
0x4c: {  	[tilespmem:s22], [sflag:$0x1] =	stream.indirect.gather [hbm4b:s3+s21], $0x80, s2, s21, $0xb8;
	[tilespmem:$0x1B980] =	vst v63  }
0x4d: {  	p1 =	sne.s32 s9, $0x1;
	_ =	swait.ge [sflag:s13], $0x4000  }
.Ltmp2:
0x4e: {  	[sflag:s13] =	ssyncset.done $0x0;
	(pc) =	sbr.rel @!p1 .LBB2_5-.Ltmp2, $4  }
0x4f: {  	[sflag:s13] =	ssyncadd.s32 $0xFFFFC000  }
0x50: {  	[spmem:s1] =	stream.indirect.scatter.add.f32 [tilespmem:s22], [sflag:$0x2], $0x80, s21, s21, $0xb8;
	[tilespmem:$0x1B980] =	vst v63  }
0x51: {  	s25 =	sadd.s32 $0xFFFFFFFF, s9;
	_ =	swait.ge [sflag:s19], $0x4000  }
0x52: {  	s26 =	smov.u32 s15;
	s28 =	smov.u32 s16;
	[sflag:s19] =	ssyncset.done $0x0  }
.LBB2_4:
0x53: {  	[sflag:s19] =	ssyncadd.s32 $0xFFFFC000;
	s26 =	sadd.s32 $0x10, s26;
	s28 =	sadd.s32 $0x10, s28  }
0x54: {  	[tilespmem:s2], [sflag:$0x2] =	stream.linear.gather [hbm4b:s26+s2], $0x80, $0x38;
	[tilespmem:$0x1B980] =	vst v63  }
0x55: {  	p2 =	sne.s32 s25, $0x1;
	s25 =	sadd.s32 $0xFFFFFFFF, s25;
	_ =	swait.ge [sflag:s19], $0x80  }
0x56: {  	[sflag:s19] =	ssyncset.done $0x0  }
0x57: {  	[sflag:s19] =	ssyncadd.s32 $0xFFFFFF80  }
0x58: {  	[tilespmem:s21], [sflag:$0x2] =	stream.linear.gather [hbm4b:s28+s2], $0x80, $0x38;
	[tilespmem:$0x1B980] =	vst v63  }
0x59: {  	_ =	swait.ge [sflag:s19], $0x80  }
0x5a: {  	[sflag:s19] =	ssyncset.done $0x0  }
0x5b: {  	[sflag:s19] =	ssyncadd.s32 $0xFFFFFF80  }
0x5c: {  	[tilespmem:s22], [sflag:$0x1] =	stream.indirect.gather [hbm4b:s3+s21], $0x80, s2, s21, $0xb8;
	[tilespmem:$0x1B980] =	vst v63  }
0x5d: {  	_ =	swait.ge [sflag:s13], $0x4000  }
.Ltmp3:
0x5e: {  	[sflag:s13] =	ssyncset.done $0x0;
	(pc) =	sbr.rel @p2 .LBB2_4-.Ltmp3, $4  }
0x5f: {  	[sflag:s13] =	ssyncadd.s32 $0xFFFFC000  }
0x60: {  	[spmem:s1] =	stream.indirect.scatter.add.f32 [tilespmem:s22], [sflag:$0x2], $0x80, s21, s21, $0xb8;
	[tilespmem:$0x1B980] =	vst v63  }
0x61: {  	_ =	swait.ge [sflag:s19], $0x4000  }
0x62: {  	[sflag:s19] =	ssyncset.done $0x0  }
.LBB2_5:
0x63: {  	[sflag:s19] =	ssyncadd.s32 $0xFFFFC000  }
0x64: {  	[bflag:$0x0] =	sbarrier.arrive $0xFFFF  }
0x65: {  	[hbm:s10], [sflag:s20] =	dma.local [spmem:s24], $0x2780  }
0x66: {  	_ =	swait.ge [sflag:s19], $0x2780  }
0x67: {  	[sflag:s19] =	ssyncset.done $0x0  }
0x68: {  	[sflag:s19] =	ssyncadd.s32 $0xFFFFD880  }
0x69: {  	[bflag:$0x0] =	sbarrier.arrive $0xFFFF  }
0x6a: {  	[spmem:s24], [sflag:s20] =	dma.local [hbm:s6], $0x2780  }
0x6b: {  	_ =	swait.ge [sflag:s19], $0x2780  }
0x6c: {  	[sflag:s19] =	ssyncset.done $0x0  }
0x6d: {  	[sflag:s19] =	ssyncadd.s32 $0xFFFFD880  }
0x6e: {  	[bflag:$0x0] =	sbarrier.arrive $0xFFFF  }
0x6f: {  	[tilespmem:s2], [sflag:$0x2] =	stream.linear.gather [hbm4b:s17+s2], $0x80, $0x38;
	[tilespmem:$0x1B980] =	vst v63  }
0x70: {  	_ =	swait.ge [sflag:s19], $0x80  }
0x71: {  	[sflag:s19] =	ssyncset.done $0x0  }
0x72: {  	[sflag:s19] =	ssyncadd.s32 $0xFFFFFF80  }
0x73: {  	[tilespmem:s21], [sflag:$0x2] =	stream.linear.gather [hbm4b:s16+s2], $0x80, $0x38;
	[tilespmem:$0x1B980] =	vst v63  }
0x74: {  	_ =	swait.ge [sflag:s19], $0x80  }
0x75: {  	[sflag:s19] =	ssyncset.done $0x0  }
0x76: {  	[sflag:s19] =	ssyncadd.s32 $0xFFFFFF80  }
0x77: {  	[tilespmem:s22], [sflag:$0x1] =	stream.indirect.gather [hbm4b:s3+s21], $0x80, s2, s21, $0xb8;
	[tilespmem:$0x1B980] =	vst v63  }
0x78: {  	_ =	swait.ge [sflag:s13], $0x4000  }
.Ltmp4:
0x79: {  	[sflag:s13] =	ssyncset.done $0x0;
	(pc) =	sbr.rel @!p1 .LBB2_7-.Ltmp4, $4  }
0x7a: {  	[sflag:s13] =	ssyncadd.s32 $0xFFFFC000  }
0x7b: {  	[spmem:s1] =	stream.indirect.scatter.add.f32 [tilespmem:s22], [sflag:$0x2], $0x80, s21, s21, $0xb8;
	[tilespmem:$0x1B980] =	vst v63  }
0x7c: {  	s25 =	sadd.s32 $0xFFFFFFFF, s9;
	_ =	swait.ge [sflag:s19], $0x4000  }
0x7d: {  	s26 =	smov.u32 s17;
	s28 =	smov.u32 s16;
	[sflag:s19] =	ssyncset.done $0x0  }
.LBB2_6:
0x7e: {  	[sflag:s19] =	ssyncadd.s32 $0xFFFFC000;
	s26 =	sadd.s32 $0x10, s26;
	s28 =	sadd.s32 $0x10, s28  }
0x7f: {  	[tilespmem:s2], [sflag:$0x2] =	stream.linear.gather [hbm4b:s26+s2], $0x80, $0x38;
	[tilespmem:$0x1B980] =	vst v63  }
0x80: {  	p1 =	sne.s32 s25, $0x1;
	s25 =	sadd.s32 $0xFFFFFFFF, s25;
	_ =	swait.ge [sflag:s19], $0x80  }
0x81: {  	[sflag:s19] =	ssyncset.done $0x0  }
0x82: {  	[sflag:s19] =	ssyncadd.s32 $0xFFFFFF80  }
0x83: {  	[tilespmem:s21], [sflag:$0x2] =	stream.linear.gather [hbm4b:s28+s2], $0x80, $0x38;
	[tilespmem:$0x1B980] =	vst v63  }
0x84: {  	_ =	swait.ge [sflag:s19], $0x80  }
0x85: {  	[sflag:s19] =	ssyncset.done $0x0  }
0x86: {  	[sflag:s19] =	ssyncadd.s32 $0xFFFFFF80  }
0x87: {  	[tilespmem:s22], [sflag:$0x1] =	stream.indirect.gather [hbm4b:s3+s21], $0x80, s2, s21, $0xb8;
	[tilespmem:$0x1B980] =	vst v63  }
0x88: {  	_ =	swait.ge [sflag:s13], $0x4000  }
.Ltmp5:
0x89: {  	[sflag:s13] =	ssyncset.done $0x0;
	(pc) =	sbr.rel @p1 .LBB2_6-.Ltmp5, $4  }
0x8a: {  	[sflag:s13] =	ssyncadd.s32 $0xFFFFC000  }
0x8b: {  	[spmem:s1] =	stream.indirect.scatter.add.f32 [tilespmem:s22], [sflag:$0x2], $0x80, s21, s21, $0xb8;
	[tilespmem:$0x1B980] =	vst v63  }
0x8c: {  	_ =	swait.ge [sflag:s19], $0x4000  }
0x8d: {  	[sflag:s19] =	ssyncset.done $0x0  }
.LBB2_7:
0x8e: {  	s23 =	sadd.s32 $0x1, s23  }
0x8f: {  	[sflag:s19] =	ssyncadd.s32 $0xFFFFC000;
	p1 =	sne.s32 s23, s12  }
.Ltmp6:
0x90: {  	[bflag:$0x0] =	sbarrier.arrive $0xFFFF;
	(pc) =	sbr.rel @p1 .LBB2_1-.Ltmp6, $4  }
0x91: {  	[hbm:s11], [sflag:s20] =	dma.local [spmem:s24], $0x2780  }
0x92: {  	_ =	swait.ge [sflag:s19], $0x2780  }
0x93: {  	[sflag:s19] =	ssyncset.done $0x0  }
0x94: {  	[sflag:s19] =	ssyncadd.s32 $0xFFFFD880  }
0x95: {  	_ =	sfence.sel $0x180000  }
0x96: {  	[bflag:$0x0] =	sbarrier.arrive $0xFFFF  }
0x97: {  	_ =	strace $0x9000004A  }
0x98: {  	s0 =	sadd.s32 @!p0 $0x100000, s0;
	[bflag:$0x2] =	sbarrier.arrive $0xFFFF  }
0x99: {  	[sflag:s0] =	ssyncadd.tile.s32 @!p0 $0x1;
	_ =	shalt  }
.Lfunc_end2:
_tile_overlayer_lowered:
.L_overlay_start_2:
0x9a: {  	(tag) =	ssettag $0x2  }
0x9b: {  	s0 =	rddreg [dreg:$0x0];
	s2 =	stileid.u32  }
0x9c: {  	s1 =	rddreg [dreg:$0x1];
	p0 =	sne.s32 s2, $0x0  }
0x9d: {  	s3 =	rddreg [dreg:$0x2];
	[bflag:$0x3] =	sbarrier.arrive $0xFFFF;
	s2 =	simm.s32 @!p0 $0x1C02  }
0x9e: {  	[timem:s3], [sflag:s2] =	dma.local @!p0 [hbm:s0], s1  }
0x9f: {  	s0 =	simm.s32 @!p0 $0x2  }
0xa0: {  	_ =	swait.ge @!p0 [sflag:s0], s1  }
0xa1: {  	s1 =	ssub.s32 @!p0 $0x0, s1;
	[sflag:s0] =	ssyncset.done @!p0 $0x0  }
0xa2: {  	[sflag:s0] =	ssyncadd.s32 @!p0 s1  }
0xa3: {  	[bflag:$0x3] =	sbarrier.arrive $0xFFFF  }
0xa4: {  	_ =	shalt  }

// kernel: kernel.7.cloned.1.call-start
scs
__scs_entry_jumppad:
0x0: {  	(pc) =	sbr.rel $0x88, $3  }
0x1: {  	(tag) =	ssettag $0x0;
	lr =	simm.s32 $0x1  }
0x2: {  	[smem:$0x3F96] =	sst lr;
	_ =	strace $0xD0000000  }
0x3: {  	_ = 	snop  }
0x4: {  	_ = 	snop  }
0x5: {  	_ = 	snop  }
0x6: {  	_ = 	snop  }
0x7: {  	_ = 	snop  }
__scs_overlays_trampoline_lowered:
0x8: {  	[smem:$0x3FA5] =	sst s0  }
0x9: {  	[smem:$0x3FA6] =	sst s1  }
0xa: {  	[smem:$0x3FA7] =	sst s2  }
0xb: {  	[smem:$0x3FA8] =	sst s3  }
0xc: {  	[smem:$0x3FA9] =	sst s4  }
0xd: {  	[smem:$0x3FAA] =	sst s5  }
0xe: {  	[smem:$0x3FAB] =	sst s6  }
0xf: {  	[smem:$0x3FAC] =	sst s7  }
0x10: {  	[smem:$0x3FAD] =	sst s8  }
0x11: {  	[smem:$0x3FAE] =	sst s9;
	s0 =	simm.s32 @!p0 $0x0  }
0x12: {  	s1 =	sld [smem:$0x3F94];
	s0 =	simm.s32 @p0 $0x1  }
0x13: {  	[smem:$0x3FAF] =	sst s0;
	s0 =	simm.s32 @!p1 $0x0  }
0x14: {  	s2 =	sld [smem:$0x3F93];
	s0 =	simm.s32 @p1 $0x1  }
0x15: {  	[smem:$0x3FB0] =	sst s0;
	s0 =	simm.s32 @!p2 $0x0  }
0x16: {  	s3 =	sld [smem:$0x3FDB];
	s0 =	simm.s32 @p2 $0x1  }
0x17: {  	s4 =	simm.s32 $0x1BF5;
	[smem:$0x3FB2] =	sst s0  }
0x18: {  	s0 =	sld [smem:$0x3F95];
	_ =	swait.ge [sflag:s4], $0x0  }
0x19: {  	s7 =	sld [smem:$0x3F96]  }
0x1a: {  	s8 =	sadd.s32 $0xFFFFE003, lr  }
0x1b: {  	s9 =	sadd.s32 $0xFFFFFEF7, lr;
	s5 =	simm.s32 $0xFFFFFFFF;
	p2 =	slt.u32 s8, $0xFFFFF086  }
0x1c: {  	p1 =	slt.u32 s9, $0xF7A;
	s5 =	simm.s32 @!p2 $0x0  }
0x1d: {  	s5 =	simm.s32 @p1 $0x1;
	p0 =	seq.s32 s7, s2  }
0x1e: {  	s7 =	smul.u32 @!p0 $0xF7A, s2;
	p2 =	seq.s32 @!p0 s5, $0x0  }
0x1f: {  	s9 =	smul.u32 $0xF7A, s1;
	s8 =	simm.s32 @!p0 $0x1BF5;
	p2 =	por !p2, p0  }
0x20: {  	[sflag:s8] =	ssyncset.s32 @!p0 $0xFFFFF086;
	s6 =	sadd.s32 @!p0 s3, s7;
	s7 =	simm.s32 @!p0 $0x108  }
0x21: {  	s3 =	sadd.s32 s3, s9;
	s6 =	sadd.s32 @!p0 $0x88, s6;
	s7 =	simm.s32 @p2 $0x1082  }
0x22: {  	[simem:s7], [sflag:s8] =	dma.local @!p0 [hbm:s6], $0xF7A  }
0x23: {  	s9 =	sor.u32 $0xD0000000, s2;
	s6 =	simm.s32 $0x108;
	_ =	swait.ge @!p0 [sflag:s8], $0x0  }
0x24: {  	s3 =	sadd.s32 $0x88, s3;
	s6 =	simm.s32 @!p1 $0x1082;
	[sflag:s4] =	ssyncset.s32 $0xFFFFF086  }
0x25: {  	[simem:s6], [sflag:s4] =	dma.local [hbm:s3], $0xF7A  }
0x26: {  	[smem:$0x3F96] =	sst s1;
	(tag) =	ssettag s2;
	_ =	strace s9  }
0x27: {  	s1 =	sld [smem:$0x3FA6]  }
0x28: {  	s2 =	sld [smem:$0x3FA7]  }
0x29: {  	s4 =	sld [smem:$0x3FA9]  }
0x2a: {  	p0 =	seq.s32 s5, $0x0;
	s5 =	sld [smem:$0x3FAA]  }
0x2b: {  	s6 =	sld [smem:$0x3FAB]  }
0x2c: {  	s7 =	sld [smem:$0x3FAC]  }
0x2d: {  	s3 =	simm.s32 $0x108;
	s8 =	sld [smem:$0x3FAD]  }
0x2e: {  	s3 =	simm.s32 @!p0 $0x1082;
	s9 =	sld [smem:$0x3FAE]  }
0x2f: {  	lr =	sadd.s32 s0, s3;
	s0 =	sld [smem:$0x3FA5]  }
0x30: {  	s3 =	sld [smem:$0x3FA8]  }
0x31: {  	[smem:$0x3FB1] =	sst s10  }
0x32: {  	s10 =	sld [smem:$0x3FAF];
	_ =	sdelay $0x3  }
0x33: {  	p0 =	seq.s32 s10, $0x1;
	s10 =	sld [smem:$0x3FB1];
	_ =	sdelay $0x3  }
0x34: {  	[smem:$0x3FB1] =	sst s10  }
0x35: {  	s10 =	sld [smem:$0x3FB0];
	_ =	sdelay $0x3  }
0x36: {  	p1 =	seq.s32 s10, $0x1;
	s10 =	sld [smem:$0x3FB1];
	_ =	sdelay $0x3  }
0x37: {  	[smem:$0x3FB1] =	sst s10  }
0x38: {  	s10 =	sld [smem:$0x3FB2]  }
0x39: {  	_ = 	snop;
	(pc) =	sbr.ind lr, $3  }
0x3a: {  	_ = 	snop  }
0x3b: {  	_ = 	snop  }
0x3c: {  	p2 =	seq.s32 s10, $0x1;
	s10 =	sld [smem:$0x3FB1]  }
0x3d: {  	_ =	shalt  }
0x3e: {  	_ =	shalt  }
0x3f: {  	_ =	shalt  }
0x40: {  	_ =	shalt  }
0x41: {  	_ =	shalt  }
0x42: {  	_ =	shalt  }
0x43: {  	_ =	shalt  }
0x44: {  	_ =	shalt  }
0x45: {  	_ =	shalt  }
0x46: {  	_ =	shalt  }
0x47: {  	_ =	shalt  }
0x48: {  	_ =	shalt  }
0x49: {  	_ =	shalt  }
0x4a: {  	_ =	shalt  }
0x4b: {  	_ =	shalt  }
0x4c: {  	_ =	shalt  }
0x4d: {  	_ =	shalt  }
0x4e: {  	_ =	shalt  }
0x4f: {  	_ =	shalt  }
0x50: {  	_ =	shalt  }
0x51: {  	_ =	shalt  }
0x52: {  	_ =	shalt  }
0x53: {  	_ =	shalt  }
0x54: {  	_ =	shalt  }
0x55: {  	_ =	shalt  }
0x56: {  	_ =	shalt  }
0x57: {  	_ =	shalt  }
0x58: {  	_ =	shalt  }
0x59: {  	_ =	shalt  }
0x5a: {  	_ =	shalt  }
0x5b: {  	_ =	shalt  }
0x5c: {  	_ =	shalt  }
0x5d: {  	_ =	shalt  }
0x5e: {  	_ =	shalt  }
0x5f: {  	_ =	shalt  }
0x60: {  	_ =	shalt  }
0x61: {  	_ =	shalt  }
0x62: {  	_ =	shalt  }
0x63: {  	_ =	shalt  }
0x64: {  	_ =	shalt  }
0x65: {  	_ =	shalt  }
0x66: {  	_ =	shalt  }
0x67: {  	_ =	shalt  }
0x68: {  	_ =	shalt  }
0x69: {  	_ =	shalt  }
0x6a: {  	_ =	shalt  }
0x6b: {  	_ =	shalt  }
0x6c: {  	_ =	shalt  }
0x6d: {  	_ =	shalt  }
0x6e: {  	_ =	shalt  }
0x6f: {  	_ =	shalt  }
0x70: {  	_ =	shalt  }
0x71: {  	_ =	shalt  }
0x72: {  	_ =	shalt  }
0x73: {  	_ =	shalt  }
0x74: {  	_ =	shalt  }
0x75: {  	_ =	shalt  }
0x76: {  	_ =	shalt  }
0x77: {  	_ =	shalt  }
0x78: {  	_ =	shalt  }
0x79: {  	_ =	shalt  }
0x7a: {  	_ =	shalt  }
0x7b: {  	_ =	shalt  }
0x7c: {  	_ =	shalt  }
0x7d: {  	_ =	shalt  }
0x7e: {  	_ =	shalt  }
0x7f: {  	_ =	shalt  }
0x80: {  	_ =	shalt  }
0x81: {  	_ =	shalt  }
0x82: {  	_ =	shalt  }
0x83: {  	_ =	shalt  }
0x84: {  	_ =	shalt  }
0x85: {  	_ =	shalt  }
0x86: {  	_ =	shalt  }
0x87: {  	_ =	shalt  }
.Lfunc_end0:
.L_simem_size_0:
called_computation_lowered:
.L_overlay_start_0:
0x88: {  	s2 =	sld [smem:$0x3FD9]  }
0x89: {  	s3 =	sld [smem:$0x3FFE];
	_ =	sdelay $0x1  }
0x8a: {  	s1 =	srdreg.scid  }
0x8b: {  	s0 =	sand.u32 $0x1, s1  }
0x8c: {  	s17 =	sshll.u32 s0, $0xA;
	s2 =	sadd.s32 s3, s2  }
0x8d: {  	s2 =	sadd.s32 s2, s17  }
0x8e: {  	[smem:$0x3FBD] =	sst s2  }
0x8f: {  	_ = 	snop  }
0x90: {  	s2 =	sld [smem:$0x3FD0];
	(tm) =	ssettm $0x1  }
0x91: {  	s18 =	sld [smem:$0x3FFB];
	_ =	sdelay $0x3  }
0x92: {  	_ =	strace s18  }
0x93: {  	s3 =	sld [smem:$0x3FFC];
	_ =	sdelay $0x3  }
0x94: {  	_ =	strace s3  }
0x95: {  	s3 =	sld [smem:$0x3FFD];
	_ =	sdelay $0x3  }
0x96: {  	_ =	strace s3  }
0x97: {  	_ =	strace $0x8FFFFFFF  }
0x98: {  	s19 =	sld [smem:$0x3FDB];
	_ =	sdelay $0x1  }
0x99: {  	s4 =	simm.s32 $_scs_section_size  }
0x9a: {  	s5 =	simm.s32 $_size__tile_overlayer_lowered;
	s6 =	simm.s32 $_tile_overlayer_lowered  }
0x9b: {  	s22 =	simm.s32 $0x1BFF;
	s21 =	sshll.u32 s6, $0x1;
	s3 =	sadd.s32 s4, s19  }
0x9c: {  	s7 =	simm.s32 $0x0;
	s20 =	sshll.u32 s5, $0x1;
	s5 =	sadd.s32 s21, s3  }
0x9d: {  	[timem:s7], [sflag:s22] =	dma.local [hbm:s5], s20  }
0x9e: {  	_ =	swait.ge [sflag:s22], s20  }
0x9f: {  	s4 =	ssub.s32 $0x0, s20;
	[sflag:s22] =	ssyncset.done $0x0  }
0xa0: {  	[sflag:s22] =	ssyncadd.s32 s4;
	_ =	sdelay $0x1  }
0xa1: {  	s23 =	simm.s32 $0x1B8B  }
0xa2: {  	_ =	swait.ge [sflag:s23], $0x1  }
0xa3: {  	[sflag:s23] =	ssyncset.done $0x0  }
0xa4: {  	s25 =	simm.s32 $0x1B8E;
	s24 =	sld [smem:$0x3FFE];
	[sflag:s23] =	ssyncadd.s32 $0xFFFFFFFF  }
0xa5: {  	s26 =	simm.s32 $execute0_lowered;
	[smem:$0x3FD2] =	sst s25  }
0xa6: {  	s5 =	sshll.u32 s26, $0x1;
	_ =	strace $0x80000046;
	[dreg:$0x1] =	wrdreg $0xFFFFFFFF  }
0xa7: {  	s28 =	simm.s32 $_size_execute0_lowered;
	s3 =	sadd.s32 s3, s5;
	[dreg:$0x0] =	wrdreg $0x0  }
0xa8: {  	s5 =	sshll.u32 s28, $0x1;
	[dreg:$0x2] =	wrdreg s3  }
0xa9: {  	[dreg:$0x3] =	wrdreg s5  }
0xaa: {  	[dreg:$0x4] =	wrdreg $0xC0  }
0xab: {  	_ =	task [dreg:s7], $0x5FFFF  }
0xac: {  	[dreg:$0x1] =	wrdreg $0xFFFFFFFF  }
0xad: {  	[dreg:$0x0] =	wrdreg $0x60  }
0xae: {  	[dreg:$0x2] =	wrdreg s24  }
0xaf: {  	[dreg:$0x3] =	wrdreg s2  }
0xb0: {  	[dreg:$0x4] =	wrdreg $0x81000  }
0xb1: {  	[dreg:$0x5] =	wrdreg $0x9  }
0xb2: {  	_ =	task.clear_ibuf [dreg:s7], $0x6FFFF;
	_ =	strace $0x90000046  }
0xb3: {  	s29 =	simm.s32 $0x9;
	_ =	strace $0x80000048  }
0xb4: {  	_ =	swait.ge [sflag:s29], $0x1  }
0xb5: {  	[sflag:s29] =	ssyncadd.s32 $0xFFFFFFFF  }
0xb6: {  	_ =	strace $0x90000048  }
0xb7: {  	_ =	sfence  }
0xb8: {  	s30 =	sld [smem:$0x0];
	_ =	sdelay $0x2  }
0xb9: {  	s31 =	sshll.u32 s1, $0xD;
	s1 =	sshrl.u32 s1, $0x2  }
0xba: {  	s3 =	sand.u32 $0x4000, s31;
	s1 =	sadd.s32 s1, s30  }
0xbb: {  	s0 =	sor.u32 s3, s0;
	s1 =	sshll.u32 s1, $0x11  }
0xbc: {  	s0 =	sor.u32 s1, s0  }
0xbd: {  	s0 =	sadd.s32 $0x8F2B, s0  }
0xbe: {  	[sflag:s0] =	ssyncadd.remote.s32 $0x1  }
0xbf: {  	_ =	sfence.sel $0xFFFF  }
0xc0: {  	[dreg:$0x0] =	wrdreg $0xFFFFFFFF;
	(pc) =	sbr.abs _section_cstart, $3  }
0xc1: {  	[dreg:$0x1] =	wrdreg $0xFFFFFFFF  }
0xc2: {  	_ =	task.clear_ibuf [dreg:s7], $0x2FFFF;
	_ =	strace $0x9FFFFFFF  }
0xc3: {  	(tm) =	ssettm $0x7FFFFFFF  }
tec
execute0_lowered:
.L_overlay_start_1:
0x0: {  	(tag) =	ssettag $0x1  }
0x1: {  	s5 =	rddreg [dreg:$0x0]  }
0x2: {  	s0 =	srdreg.scid;
	s6 =	rddreg [dreg:$0x1]  }
0x3: {  	s16 =	stileid.u32;
	s1 =	rddreg [dreg:$0x2]  }
0x4: {  	s2 =	simm.s32 $0x0;
	s12 =	simm.s32 $0x1;
	s19 =	simm.s32 $0x80  }
0x5: {  	s20 =	simm.s32 $0x100;
	s21 =	simm.s32 $0x0;
	s4 =	smul.u32 $0x2700, s16  }
0x6: {  	s7 =	sand.u32 $0x1, s0;
	s0 =	rddreg [dreg:$0x3];
	s8 =	smul.u32 $0x271, s16  }
0x7: {  	[smem:$0x7FF] =	sst s2;
	s9 =	sand.u32 $0x7, s16;
	s30 =	smul.u32 $0x27, s16  }
0x8: {  	s14 =	smin.u32 s16, $0x2;
	s15 =	sadd.s32 $0x1200, s5;
	s17 =	smul.u32 $0x4E0, s16  }
0x9: {  	p0 =	sne.s32 s16, $0x0;
	p1 =	seq.s32 s16, $0x0;
	s3 =	smul.u32 $0x27100, s7  }
0xa: {  	s31 =	sshll.u32 s16, $0x6;
	s10 =	smul.u32 $0x2710, s7;
	_ =	strace $0x80000047  }
0xb: {  	s22 =	sshll.u32 s14, $0x7;
	s25 =	ssub.s32 $0x2, s7;
	s29 =	smul.u32 $0x271, s7  }
0xc: {  	s7 =	simm.s32 $0x4F;
	s12 =	simm.s32 @!p0 $0x0;
	s14 =	sshll.u32 s14, $0x4  }
0xd: {  	s8 =	ssub.s32 s8, s9;
	s11 =	sshrl.u32 s25, $0x1;
	s3 =	sadd.s32 s4, s3  }
0xe: {  	s9 =	sadd.s32 s10, s8;
	s24 =	sshll.u32 s8, $0x7;
	s26 =	sshll.u32 s8, $0x9  }
0xf: {  	s8 =	sshll.u32 s8, $0x4;
	s11 =	ssub.s32 s25, s11;
	s3 =	sadd.s32 s22, s3  }
0x10: {  	s23 =	sshll.u32 s9, $0x7;
	s9 =	sand.u32 $0x380, s24;
	s10 =	sshra.s32 s26, $0x2  }
0x11: {  	s28 =	sand.u32 $0xFFFFF80, s8;
	s3 =	sshrl.u32 s3, $0x3;
	s4 =	sand.u32 $0x7FFFFC00, s23  }
0x12: {  	s18 =	sadd.s32 s10, s1;
	s10 =	sadd.s32 s30, s29;
	s13 =	sadd.s32 s3, s5  }
0x13: {  	s9 =	sor.u32 s9, s4;
	s3 =	sadd.s32 $0x10000, s5;
	s4 =	sadd.s32 $0x5E200, s5  }
0x14: {  	s10 =	sadd.s32 s12, s10;
	s18 =	sshrl.u32 s18, $0x3;
	s9 =	sshrl.u32 s9, $0x3  }
0x15: {  	s12 =	sshll.u32 s10, $0x4;
	s10 =	smax.u32 s11, $0x1;
	s11 =	simm.s32 $0x1  }
0x16: {  	s13 =	sadd.s32 $0x6200, s13;
	s9 =	sadd.s32 s9, s5;
	s5 =	sadd.s32 s6, s28  }
0x17: {  	s6 =	simm.s32 $0x28;
	s12 =	sadd.s32 s12, s15;
	s15 =	sadd.s32 s17, s15  }
0x18: {  	s17 =	sor.u32 $0x1C02, s31;
	s6 =	simm.s32 @!p1 $0x27;
	p1 =	slt.u32 s16, $0x2  }
0x19: {  	s8 =	sadd.s32 $0xACC00, s9;
	s9 =	sadd.s32 $0x5EA00, s9;
	s14 =	sadd.s32 s14, s15  }
0x1a: {  	s15 =	simm.s32 $0x4100;
	s16 =	simm.s32 $0x2;
	s7 =	simm.s32 @!p1 $0x4E  }
.LBB2_1:
0x1b: {  	[tilespmem:s15], [sflag:$0x2] =	stream.linear.gather [hbm4b:s4+s2], $0x4000, $0x38;
	[tilespmem:$0x1B980] =	vst v63  }
0x1c: {  	_ =	swait.ge [sflag:s16], $0x4000  }
0x1d: {  	[sflag:s16] =	ssyncset.done $0x0  }
0x1e: {  	[sflag:s16] =	ssyncadd.s32 $0xFFFFC000  }
0x1f: {  	[spmem:s18], [sflag:s17] =	dma.local [hbm:s5], $0x2780  }
0x20: {  	_ =	swait.ge [sflag:s16], $0x2780  }
0x21: {  	[sflag:s16] =	ssyncset.done $0x0  }
0x22: {  	[sflag:s16] =	ssyncadd.s32 $0xFFFFD880  }
0x23: {  	[bflag:$0x0] =	sbarrier.arrive $0xFFFF  }
0x24: {  	[tilespmem:s19], [sflag:$0x2] =	stream.linear.gather [hbm4b:s12+s2], $0x80, $0x38;
	[tilespmem:$0x1B980] =	vst v63  }
0x25: {  	p1 =	sne.s32 s6, $0x1;
	_ =	swait.ge [sflag:s16], $0x80  }
.Ltmp0:
0x26: {  	[sflag:s16] =	ssyncset.done $0x0;
	(pc) =	sbr.rel @!p1 .LBB2_3-.Ltmp0, $4  }
0x27: {  	[sflag:s16] =	ssyncadd.s32 $0xFFFFFF80  }
0x28: {  	[spmem:s1] =	stream.indirect.scatter.add.f32 [tilespmem:s15], [sflag:$0x2], $0x80, s19, s19, $0xb8;
	[tilespmem:$0x1B980] =	vst v63  }
0x29: {  	_ =	swait.ge [sflag:s16], $0x4000  }
0x2a: {  	s22 =	sadd.s32 $0xFFFFFFFF, s6;
	s23 =	smov.u32 s12;
	[sflag:s16] =	ssyncset.done $0x0  }
.LBB2_2:
0x2b: {  	p1 =	sne.s32 s22, $0x1;
	[sflag:s16] =	ssyncadd.s32 $0xFFFFC000;
	s23 =	sadd.s32 $0x10, s23  }
0x2c: {  	[tilespmem:s19], [sflag:$0x2] =	stream.linear.gather [hbm4b:s23+s2], $0x80, $0x38;
	[tilespmem:$0x1B980] =	vst v63  }
0x2d: {  	s22 =	sadd.s32 $0xFFFFFFFF, s22;
	_ =	swait.ge [sflag:s16], $0x80  }
.Ltmp1:
0x2e: {  	[sflag:s16] =	ssyncset.done $0x0;
	(pc) =	sbr.rel @p1 .LBB2_2-.Ltmp1, $4  }
0x2f: {  	[sflag:s16] =	ssyncadd.s32 $0xFFFFFF80  }
0x30: {  	[spmem:s1] =	stream.indirect.scatter.add.f32 [tilespmem:s15], [sflag:$0x2], $0x80, s19, s19, $0xb8;
	[tilespmem:$0x1B980] =	vst v63  }
0x31: {  	_ =	swait.ge [sflag:s16], $0x4000  }
0x32: {  	[sflag:s16] =	ssyncset.done $0x0  }
.LBB2_3:
0x33: {  	[sflag:s16] =	ssyncadd.s32 $0xFFFFC000  }
0x34: {  	[bflag:$0x0] =	sbarrier.arrive $0xFFFF  }
0x35: {  	[hbm:s8], [sflag:s17] =	dma.local [spmem:s18], $0x2780  }
0x36: {  	_ =	swait.ge [sflag:s16], $0x2780  }
0x37: {  	[sflag:s16] =	ssyncset.done $0x0  }
0x38: {  	[sflag:s16] =	ssyncadd.s32 $0xFFFFD880  }
0x39: {  	[bflag:$0x0] =	sbarrier.arrive $0xFFFF  }
0x3a: {  	[spmem:s18], [sflag:s17] =	dma.local [hbm:s5], $0x2780  }
0x3b: {  	_ =	swait.ge [sflag:s16], $0x2780  }
0x3c: {  	[sflag:s16] =	ssyncset.done $0x0  }
0x3d: {  	[sflag:s16] =	ssyncadd.s32 $0xFFFFD880  }
0x3e: {  	[bflag:$0x0] =	sbarrier.arrive $0xFFFF  }
0x3f: {  	[tilespmem:s2], [sflag:$0x2] =	stream.linear.gather [hbm4b:s13+s2], $0x80, $0x38;
	[tilespmem:$0x1B980] =	vst v63  }
0x40: {  	_ =	swait.ge [sflag:s16], $0x80  }
0x41: {  	[sflag:s16] =	ssyncset.done $0x0  }
0x42: {  	[sflag:s16] =	ssyncadd.s32 $0xFFFFFF80  }
0x43: {  	[tilespmem:s19], [sflag:$0x2] =	stream.linear.gather [hbm4b:s14+s2], $0x80, $0x38;
	[tilespmem:$0x1B980] =	vst v63  }
0x44: {  	_ =	swait.ge [sflag:s16], $0x80  }
0x45: {  	[sflag:s16] =	ssyncset.done $0x0  }
0x46: {  	[sflag:s16] =	ssyncadd.s32 $0xFFFFFF80  }
0x47: {  	[tilespmem:s20], [sflag:$0x1] =	stream.indirect.gather [hbm4b:s3+s19], $0x80, s2, s19, $0xb8;
	[tilespmem:$0x1B980] =	vst v63  }
0x48: {  	p1 =	sne.s32 s7, $0x1;
	_ =	swait.ge [sflag:s11], $0x4000  }
.Ltmp2:
0x49: {  	[sflag:s11] =	ssyncset.done $0x0;
	(pc) =	sbr.rel @!p1 .LBB2_5-.Ltmp2, $4  }
0x4a: {  	[sflag:s11] =	ssyncadd.s32 $0xFFFFC000  }
0x4b: {  	[spmem:s1] =	stream.indirect.scatter.add.f32 [tilespmem:s20], [sflag:$0x2], $0x80, s19, s19, $0xb8;
	[tilespmem:$0x1B980] =	vst v63  }
0x4c: {  	s22 =	sadd.s32 $0xFFFFFFFF, s7;
	_ =	swait.ge [sflag:s16], $0x4000  }
0x4d: {  	s23 =	smov.u32 s13;
	s24 =	smov.u32 s14;
	[sflag:s16] =	ssyncset.done $0x0  }
.LBB2_4:
0x4e: {  	[sflag:s16] =	ssyncadd.s32 $0xFFFFC000;
	s23 =	sadd.s32 $0x10, s23;
	s24 =	sadd.s32 $0x10, s24  }
0x4f: {  	[tilespmem:s2], [sflag:$0x2] =	stream.linear.gather [hbm4b:s23+s2], $0x80, $0x38;
	[tilespmem:$0x1B980] =	vst v63  }
0x50: {  	p1 =	sne.s32 s22, $0x1;
	s22 =	sadd.s32 $0xFFFFFFFF, s22;
	_ =	swait.ge [sflag:s16], $0x80  }
0x51: {  	[sflag:s16] =	ssyncset.done $0x0  }
0x52: {  	[sflag:s16] =	ssyncadd.s32 $0xFFFFFF80  }
0x53: {  	[tilespmem:s19], [sflag:$0x2] =	stream.linear.gather [hbm4b:s24+s2], $0x80, $0x38;
	[tilespmem:$0x1B980] =	vst v63  }
0x54: {  	_ =	swait.ge [sflag:s16], $0x80  }
0x55: {  	[sflag:s16] =	ssyncset.done $0x0  }
0x56: {  	[sflag:s16] =	ssyncadd.s32 $0xFFFFFF80  }
0x57: {  	[tilespmem:s20], [sflag:$0x1] =	stream.indirect.gather [hbm4b:s3+s19], $0x80, s2, s19, $0xb8;
	[tilespmem:$0x1B980] =	vst v63  }
0x58: {  	_ =	swait.ge [sflag:s11], $0x4000  }
.Ltmp3:
0x59: {  	[sflag:s11] =	ssyncset.done $0x0;
	(pc) =	sbr.rel @p1 .LBB2_4-.Ltmp3, $4  }
0x5a: {  	[sflag:s11] =	ssyncadd.s32 $0xFFFFC000  }
0x5b: {  	[spmem:s1] =	stream.indirect.scatter.add.f32 [tilespmem:s20], [sflag:$0x2], $0x80, s19, s19, $0xb8;
	[tilespmem:$0x1B980] =	vst v63  }
0x5c: {  	_ =	swait.ge [sflag:s16], $0x4000  }
0x5d: {  	[sflag:s16] =	ssyncset.done $0x0  }
.LBB2_5:
0x5e: {  	s21 =	sadd.s32 $0x1, s21  }
0x5f: {  	[sflag:s16] =	ssyncadd.s32 $0xFFFFC000;
	p1 =	sne.s32 s21, s10  }
.Ltmp4:
0x60: {  	[bflag:$0x0] =	sbarrier.arrive $0xFFFF;
	(pc) =	sbr.rel @p1 .LBB2_1-.Ltmp4, $4  }
0x61: {  	[hbm:s9], [sflag:s17] =	dma.local [spmem:s18], $0x2780  }
0x62: {  	_ =	swait.ge [sflag:s16], $0x2780  }
0x63: {  	[sflag:s16] =	ssyncset.done $0x0  }
0x64: {  	[sflag:s16] =	ssyncadd.s32 $0xFFFFD880  }
0x65: {  	_ =	sfence.sel $0x180000  }
0x66: {  	[bflag:$0x0] =	sbarrier.arrive $0xFFFF  }
0x67: {  	_ =	strace $0x90000047  }
0x68: {  	s0 =	sadd.s32 @!p0 $0x100000, s0;
	[bflag:$0x2] =	sbarrier.arrive $0xFFFF  }
0x69: {  	[sflag:s0] =	ssyncadd.tile.s32 @!p0 $0x1;
	_ =	shalt  }
.Lfunc_end2:
_tile_overlayer_lowered:
.L_overlay_start_2:
0x6a: {  	(tag) =	ssettag $0x2  }
0x6b: {  	s0 =	rddreg [dreg:$0x0];
	s2 =	stileid.u32  }
0x6c: {  	s1 =	rddreg [dreg:$0x1];
	p0 =	sne.s32 s2, $0x0  }
0x6d: {  	s3 =	rddreg [dreg:$0x2];
	[bflag:$0x3] =	sbarrier.arrive $0xFFFF;
	s2 =	simm.s32 @!p0 $0x1C02  }
0x6e: {  	[timem:s3], [sflag:s2] =	dma.local @!p0 [hbm:s0], s1  }
0x6f: {  	s0 =	simm.s32 @!p0 $0x2  }
0x70: {  	_ =	swait.ge @!p0 [sflag:s0], s1  }
0x71: {  	s1 =	ssub.s32 @!p0 $0x0, s1;
	[sflag:s0] =	ssyncset.done @!p0 $0x0  }
0x72: {  	[sflag:s0] =	ssyncadd.s32 @!p0 s1  }
0x73: {  	[bflag:$0x3] =	sbarrier.arrive $0xFFFF  }
0x74: {  	_ =	shalt  }

</sc_bundles>
